<compile_context>
chip_gen: v7x
topology: tpu7x:2x2x1
jax: 0.10.2.dev20260603
libtpu: 0.0.44.dev20260713+nightly
codegen_flags: <defaults>
</compile_context>

<pallas_src>
import functools

import jax
import jax.numpy as jnp
from jax import lax
from jax.experimental import pallas as pl
from jax.experimental.pallas import tpu as pltpu
from jax.experimental.pallas import tpu_sc as plsc

N = 512
TH = 1.0
TAU = 0.1
NCH = 32
L = 16
NCHUNK = N // L
WORDS = N // 16


ROWS_PER_IT = 16


def _tc_body(x_ref, v_ref, w1f_ref, w2f_ref, p3_ref, b2_ref,
             vout_ref, ebits_ref, cmax_ref, a_ref):
    B = ROWS_PER_IT
    x = x_ref[...]
    v16 = v_ref[...]
    w1f = w1f_ref[...]
    w2f = w2f_ref[...]
    p3 = p3_ref[...]
    b2 = b2_ref[0]

    hi = lax.Precision.HIGHEST
    r2r = lax.broadcasted_iota(jnp.int32, (B * NCH, B * L), 0)
    r2c = lax.broadcasted_iota(jnp.int32, (B * NCH, B * L), 1)
    repv = (lax.broadcasted_iota(jnp.int32, (B * NCH, NCH), 0) % NCH ==
            lax.broadcasted_iota(jnp.int32, (B * NCH, NCH), 1)
            ).astype(jnp.float32)
    reph = (lax.broadcasted_iota(jnp.int32, (L, B * L), 1) % L ==
            lax.broadcasted_iota(jnp.int32, (L, B * L), 0)
            ).astype(jnp.float32)
    w1tiled = jnp.dot(jnp.dot(repv, w1f, preferred_element_type=jnp.float32,
                              precision=hi), reph,
                      preferred_element_type=jnp.float32, precision=hi)
    blockmask = ((r2r // NCH) == (r2c // L)).astype(jnp.float32)
    w1e = (w1tiled * blockmask).astype(jnp.bfloat16)

    repw = (lax.broadcasted_iota(jnp.int32, (NCH, B * NCH), 1) % NCH ==
            lax.broadcasted_iota(jnp.int32, (NCH, B * NCH), 0)
            ).astype(jnp.float32)
    w2row = jnp.dot(w2f, repw, preferred_element_type=jnp.float32,
                    precision=hi)
    w2mask = (lax.broadcasted_iota(jnp.int32, (B, B * NCH), 0) ==
              lax.broadcasted_iota(jnp.int32, (B, B * NCH), 1) // NCH
              ).astype(jnp.float32)
    w2e = (w2row * w2mask).astype(jnp.bfloat16)

    pvec = jnp.dot(repv, p3, preferred_element_type=jnp.float32,
                   precision=hi)
    b1r = pvec[:, 0:1]
    scaler = pvec[:, 1:2]
    betar = pvec[:, 2:3]

    rmat = (lax.broadcasted_iota(jnp.int32, (B * L, L), 0) % L ==
            lax.broadcasted_iota(jnp.int32, (B * L, L), 1)
            ).astype(jnp.float32)
    mmask = (lax.broadcasted_iota(jnp.int32, (B * L, B), 0) // L ==
             lax.broadcasted_iota(jnp.int32, (B * L, B), 1)
             ).astype(jnp.float32)

    xrep = jnp.dot(rmat, x, preferred_element_type=jnp.float32,
                   precision=lax.Precision.HIGHEST)
    col_iota = lax.broadcasted_iota(jnp.int32, (N, B), 0)
    sub_iota = lax.broadcasted_iota(jnp.int32, (N, B), 1)

    def row_block(k, carry):
        base = pl.multiple_of(k * B, B)
        onehot = (col_iota == sub_iota + base).astype(jnp.float32)
        x8 = jnp.dot(x, onehot, preferred_element_type=jnp.float32,
                     precision=lax.Precision.HIGHEST)
        g = jnp.dot(rmat, x8, preferred_element_type=jnp.float32,
                    precision=lax.Precision.HIGHEST)
        xcol8 = jnp.sum(g * mmask, axis=1, keepdims=True)
        tb8 = (xcol8 - xrep).astype(jnp.bfloat16)
        y8 = jnp.dot(w1e, tb8,
                     preferred_element_type=jnp.float32)
        h8 = jnp.maximum(y8 + b1r, 0.0) * scaler + betar
        o28 = jnp.dot(w2e, h8.astype(jnp.bfloat16),
                      preferred_element_type=jnp.float32)
        a_ref[pl.ds(base, B), :] = jnp.exp(o28 + b2)
        return carry

    lax.fori_loop(0, N // ROWS_PER_IT, row_block, jnp.int32(0), unroll=4)

    e_half = a_ref[...]
    dm = 0.5 * (e_half + e_half.T)

    z = (TH - dm) * (1.0 / TAU)
    sig = 1.0 / (1.0 + jnp.exp(-z))
    colsum = jnp.sum(sig, axis=0, keepdims=True)
    sig_norm = sig / colsum
    v_soft = jnp.dot(v16, sig_norm, preferred_element_type=jnp.float32,
                     precision=lax.Precision.HIGHEST)
    vout_ref[...] = (v16 - v_soft) + v_soft

    ri = lax.broadcasted_iota(jnp.int32, (N, N), 0)
    ci = lax.broadcasted_iota(jnp.int32, (N, N), 1)
    e = (ci < ri) & (dm <= TH)
    cmax = jnp.max(jnp.where(e, ci, -1), axis=1, keepdims=True)
    cmax_ref[...] = cmax

    eprime = (e & (ci != cmax)).astype(jnp.float32)
    rc = lax.broadcasted_iota(jnp.int32, (N, WORDS), 0)
    wc = lax.broadcasted_iota(jnp.int32, (N, WORDS), 1)
    pmat = jnp.where((rc >> 4) == wc,
                     (jnp.int32(1) << (rc & 15)), 0).astype(jnp.float32)
    ebits_f = jnp.dot(eprime, pmat, preferred_element_type=jnp.float32,
                      precision=lax.Precision.HIGHEST)
    ebits_ref[...] = ebits_f.astype(jnp.int32)


def _run_tc(x, v16, w1f, w2f, p3, b2):
    return pl.pallas_call(
        _tc_body,
        out_shape=(
            jax.ShapeDtypeStruct((L, N), jnp.float32),
            jax.ShapeDtypeStruct((N, WORDS), jnp.int32),
            jax.ShapeDtypeStruct((N, 1), jnp.int32),
        ),
        in_specs=[
            pl.BlockSpec((L, N), lambda: (0, 0)),
            pl.BlockSpec((L, N), lambda: (0, 0)),
            pl.BlockSpec((NCH, L), lambda: (0, 0)),
            pl.BlockSpec((1, NCH), lambda: (0, 0)),
            pl.BlockSpec((NCH, 3), lambda: (0, 0)),
            pl.BlockSpec(memory_space=pltpu.SMEM),
        ],
        scratch_shapes=[pltpu.VMEM((N, N), jnp.float32)],
    )(x, v16, w1f, w2f, p3, b2)


@functools.cache
def _sc_make():
    mesh = plsc.VectorSubcoreMesh(core_axis_name="c", subcore_axis_name="s")

    @functools.partial(
        pl.kernel, mesh=mesh,
        compiler_params=pltpu.CompilerParams(needs_layout_passes=False),
        out_type=jax.ShapeDtypeStruct((N,), jnp.int32),
        scratch_types=[
            pltpu.VMEM((N, WORDS), jnp.int32),
            pltpu.VMEM((N + L,), jnp.int32),
            pltpu.VMEM((N + L,), jnp.int32),
            pltpu.VMEM((N + L,), jnp.int32),
            pltpu.VMEM((N,), jnp.int32),
            pltpu.VMEM((N,), jnp.int32),
        ],
    )
    def sc_prog(ebits_hbm, cmax_hbm, out_hbm,
                ebits_v, cmax_v, labels_v, rowlist_v, rank_v, out_v):
        cid = lax.axis_index("c")
        sid = lax.axis_index("s")
        is_leader = jnp.logical_and(cid == 0, sid == 0)

        @pl.when(is_leader)
        def _():
            pltpu.sync_copy(ebits_hbm, ebits_v)
            pltpu.sync_copy(cmax_hbm, cmax_v.at[pl.ds(0, N)])

            lane = lax.iota(jnp.int32, L)

            def init_chunk(k, cnt):
                base = k * L
                basev = jnp.full((L,), base, dtype=jnp.int32)
                rows = lane + basev
                labels_v[pl.ds(base, L)] = rows
                av = cmax_v[pl.ds(base, L)] >= 0
                avi = av.astype(jnp.int32)
                pos = plsc.cumsum(avi) + jnp.full((L,), cnt - 1, jnp.int32)
                plsc.store_scatter(rowlist_v, [pos], rows, mask=av)
                return cnt + jnp.sum(avi)

            nrows = lax.fori_loop(0, NCHUNK, init_chunk, jnp.int32(0),
                                  unroll=False)

            def do_row(t, carry):
                t_vec = jnp.full((L,), t, dtype=jnp.int32)
                r_vec = plsc.load_gather(rowlist_v, [t_vec])
                cmax_vec = plsc.load_gather(cmax_v, [r_vec])
                l0_vec = plsc.load_gather(labels_v, [r_vec])

                def chunk(k, c2):
                    lab = labels_v[pl.ds(k * L, L)]
                    words = plsc.load_gather(ebits_v, [r_vec, lab >> 4])
                    bit = (words >> (lab & 15)) & 1
                    m = (bit != 0) | (lab == l0_vec)
                    labels_v[pl.ds(k * L, L)] = jnp.where(m, cmax_vec, lab)
                    return c2

                return lax.fori_loop(0, NCHUNK, chunk, carry, unroll=False)

            lax.fori_loop(0, nrows, do_row, jnp.int32(0), unroll=False)

            def zero_chunk(k, c):
                rank_v[pl.ds(k * L, L)] = jnp.zeros((L,), jnp.int32)
                return c
            lax.fori_loop(0, NCHUNK, zero_chunk, jnp.int32(0), unroll=False)

            ones = jnp.ones((L,), jnp.int32)

            def mark_chunk(k, c):
                lab = labels_v[pl.ds(k * L, L)]
                plsc.store_scatter(rank_v, [lab], ones)
                return c
            lax.fori_loop(0, NCHUNK, mark_chunk, jnp.int32(0), unroll=False)

            def rank_chunk(k, cnt):
                p = rank_v[pl.ds(k * L, L)]
                rank_v[pl.ds(k * L, L)] = (
                    plsc.cumsum(p) + jnp.full((L,), cnt - 1, jnp.int32))
                return cnt + jnp.sum(p)
            lax.fori_loop(0, NCHUNK, rank_chunk, jnp.int32(0), unroll=False)

            def out_chunk(k, c):
                lab = labels_v[pl.ds(k * L, L)]
                out_v[pl.ds(k * L, L)] = plsc.load_gather(rank_v, [lab])
                return c
            lax.fori_loop(0, NCHUNK, out_chunk, jnp.int32(0), unroll=False)

            pltpu.sync_copy(out_v, out_hbm)

    return sc_prog


def kernel(v, v_abs, W1, b1, gamma, beta, W2, b2):
    x = v_abs.reshape(L, N)
    v16 = v.reshape(L, N)
    w1f = W1[:, :, 0, 0].astype(jnp.bfloat16).astype(jnp.float32)
    w2f = W2[:, :, 0, 0].astype(jnp.bfloat16).astype(jnp.float32)
    scale = gamma / jnp.sqrt(1.0 + 1e-5)
    p3 = jnp.stack([b1, scale, beta], axis=1)

    vout16, ebits, cmax2d = _run_tc(x, v16, w1f, w2f, p3, b2)

    indices = _sc_make()(ebits, cmax2d.reshape(N))
    return (vout16.reshape(v.shape), indices)

# --- scband reference (transcript-rebuilt; emitter-appended) ---
"""Pipeline reference for scband-group-generator-64424509440061 (READ-ONLY COPY).

The authoritative reference and input builder live on the scoring server;
editing this copy changes nothing except your own understanding.
"""

import jax, jax.numpy as jnp
import numpy as np

N_PED = 512
TH = 1.0
TAU = 0.1

def conv1x1(x, W, b):
    y = jnp.einsum('bchw,oc->bohw', x, W[:, :, 0, 0])
    return y + b[None, :, None, None]

def bn_eval(x, gamma, beta, eps=1e-5):
    # BatchNorm2d in eval mode with running_mean=0, running_var=1
    scale = gamma / jnp.sqrt(1.0 + eps)
    return x * scale[None, :, None, None] + beta[None, :, None, None]

def compute_dist_mat(v_abs, W1, b1, gamma, beta, W2, b2):
    n_ped = v_abs.shape[-1]
    temp = jnp.broadcast_to(v_abs[..., None], v_abs.shape + (n_ped,))
    temp = temp - jnp.swapaxes(temp, -1, -2)
    temp = temp.reshape(temp.shape[0], -1, n_ped, n_ped)
    h = conv1x1(temp, W1, b1)
    h = jax.nn.relu(h)
    h = bn_eval(h, gamma, beta)
    h = conv1x1(h, W2, b2)
    h = jnp.exp(h)
    d = 0.5 * (h + jnp.swapaxes(h, -1, -2))  # stack([t, t.T], -1).mean(-1)
    return d[0].mean(axis=0)  # squeeze batch, mean over heads -> [N, N]

def find_group_indices_np(dist_mat, th, n_ped):
    # Faithful port of the data-dependent union/relabel loop (int output, non-differentiable)
    dm_flat = dist_mat.reshape(-1)
    labels0 = jnp.arange(n_ped, dtype=jnp.int32)

    def body(i, labels):
        r = i // n_ped
        c = i % n_ped
        cond = (c < r) & (dm_flat[i] <= th)
        old = labels[r]
        return jnp.where(cond & (labels == old), c.astype(jnp.int32), labels)

    labels = jax.lax.fori_loop(0, n_ped * n_ped, body, labels0)
    present = jnp.zeros((n_ped,), dtype=jnp.int32).at[labels].set(1)
    ranks = jnp.cumsum(present) - 1
    return ranks[labels]

def setup_inputs(seed: int = 0):
    key = jax.random.key(seed)
    k1, k2, k3, k4 = jax.random.split(key, 4)
    v = jax.random.normal(k1, (1, 2, 8, N_PED), dtype=jnp.float32)
    v_abs = jax.random.normal(k2, (1, 2, 8, N_PED), dtype=jnp.float32)
    W1 = jax.random.normal(k3, (32, 16, 1, 1), dtype=jnp.float32) * 0.05
    b1 = jnp.zeros((32,), dtype=jnp.float32)
    gamma = jnp.ones((32,), dtype=jnp.float32)
    beta = jnp.zeros((32,), dtype=jnp.float32)
    W2 = jax.random.normal(k4, (1, 32, 1, 1), dtype=jnp.float32) * 0.05
    b2 = jnp.full((1,), 0.2, dtype=jnp.float32)
    return {"v": v, "v_abs": v_abs, "W1": W1, "b1": b1, "gamma": gamma, "beta": beta, "W2": W2, "b2": b2}

def reference(v, v_abs, W1, b1, gamma, beta, W2, b2):
    n_ped = v.shape[-1]
    dist_mat = compute_dist_mat(v_abs, W1, b1, gamma, beta, W2, b2)
    indices = find_group_indices_np(dist_mat, TH, n_ped)
    # group_backprop_trick_threshold with tau=0.1, hard=True (straight-through)
    sig = jax.nn.sigmoid(-(dist_mat - TH) / TAU)
    sig_norm = sig / sig.sum(axis=0, keepdims=True)
    v_soft = v @ sig_norm
    v_out = jax.lax.stop_gradient(v - v_soft) + v_soft
    return (v_out, indices)

if __name__ == "__main__":
    import jax
    _d = setup_inputs()
    print(jax.jit(kernel)(*tuple(_d.values())))

</pallas_src>

<mosaic_0001>
#map = affine_map<(d0, d1) -> (0, 0)>
#map1 = affine_map<(d0, d1) -> (0)>
module attributes {stable_mosaic.version = 14 : i64} {
  func.func @sc_prog(%arg0: i32, %arg1: i32, %arg2: memref<512x32xi32, #tpu.memory_space<hbm>>, %arg3: memref<512xi32, #tpu.memory_space<hbm>>, %arg4: memref<512xi32, #tpu.memory_space<hbm>>, %arg5: memref<512x32xi32, #tpu.memory_space<vmem>>, %arg6: memref<528xi32, #tpu.memory_space<vmem>>, %arg7: memref<528xi32, #tpu.memory_space<vmem>>, %arg8: memref<528xi32, #tpu.memory_space<vmem>>, %arg9: memref<512xi32, #tpu.memory_space<vmem>>, %arg10: memref<512xi32, #tpu.memory_space<vmem>>) attributes {dimension_semantics = [#tpu.dimension_semantics<core_parallel>, #tpu.dimension_semantics<subcore_parallel>], iteration_bounds = array<i64: 2, 16>, scalar_prefetch = 0 : i64, scratch_operands = 6 : i64, tpu.core_type = #tpu.core_type<sc_vector_subcore>, window_params = [{transform_indices = #map}, {transform_indices = #map1}, {transform_indices = #map1}]} {
    %eq3A = arith.constant 0 : i32
    %eq3A_0 = arith.cmpi eq, %arg0, %eq3A : i32
    %eq3A_1 = arith.constant 0 : i32
    %eq3A_2 = arith.cmpi eq, %arg1, %eq3A_1 : i32
    %and3A = arith.andi %eq3A_0, %eq3A_2 : i1
    %convert_element_type3A = arith.extui %and3A : i1 to i32
    %cond3A = arith.constant 0 : i32
    %cond3A_3 = arith.cmpi ne, %convert_element_type3A, %cond3A : i32
    scf.if %cond3A_3 {
      "tpu.region"() ({
        %run_scoped3A = tpu.sem_alloc : memref<!tpu.dma_semaphore, #tpu.memory_space<semaphore_mem>>
        tpu.enqueue_dma source(%arg2 : memref<512x32xi32, #tpu.memory_space<hbm>>) target(%arg5 : memref<512x32xi32, #tpu.memory_space<vmem>>) target_semaphore(%run_scoped3A : memref<!tpu.dma_semaphore, #tpu.memory_space<semaphore_mem>>)
        tpu.wait_dma2 semaphore(%run_scoped3A : memref<!tpu.dma_semaphore, #tpu.memory_space<semaphore_mem>>) src(%arg2 : memref<512x32xi32, #tpu.memory_space<hbm>>) dst(%arg5 : memref<512x32xi32, #tpu.memory_space<vmem>>)
        tpu.yield
      }) : () -> ()
      "tpu.region"() ({
        %run_scoped3A = tpu.sem_alloc : memref<!tpu.dma_semaphore, #tpu.memory_space<semaphore_mem>>
        %dma_start3A = arith.constant 0 : i32
        %dma_start3A_45 = tpu.memref_slice %arg6[%dma_start3A] : memref<528xi32, #tpu.memory_space<vmem>> -> memref<512xi32, #tpu.memory_space<vmem>>
        %dma_start3A_46 = arith.constant 0 : i32
        %dma_start3A_47 = tpu.memref_slice %arg6[%dma_start3A_46] : memref<528xi32, #tpu.memory_space<vmem>> -> memref<512xi32, #tpu.memory_space<vmem>>
        tpu.enqueue_dma source(%arg3 : memref<512xi32, #tpu.memory_space<hbm>>) target(%dma_start3A_47 : memref<512xi32, #tpu.memory_space<vmem>>) target_semaphore(%run_scoped3A : memref<!tpu.dma_semaphore, #tpu.memory_space<semaphore_mem>>)
        %dma_wait3A = arith.constant 0 : i32
        %dma_wait3A_48 = tpu.memref_slice %arg6[%dma_wait3A] : memref<528xi32, #tpu.memory_space<vmem>> -> memref<512xi32, #tpu.memory_space<vmem>>
        %dma_wait3A_49 = arith.constant 0 : i32
        %dma_wait3A_50 = tpu.memref_slice %arg6[%dma_wait3A_49] : memref<528xi32, #tpu.memory_space<vmem>> -> memref<512xi32, #tpu.memory_space<vmem>>
        tpu.wait_dma2 semaphore(%run_scoped3A : memref<!tpu.dma_semaphore, #tpu.memory_space<semaphore_mem>>) src(%arg3 : memref<512xi32, #tpu.memory_space<hbm>>) dst(%dma_wait3A_50 : memref<512xi32, #tpu.memory_space<vmem>>)
        tpu.yield
      }) : () -> ()
      %iota3A = tpu.iota {dimensions = array<i32: 0>} : vector<16xi32>
      %scan3A = arith.constant 0 : i32
      %scan3A_4 = arith.constant 0 : i32
      %scan3A_5 = arith.constant 32 : i32
      %scan3A_6 = arith.addi %scan3A_4, %scan3A_5 : i32
      %scan3A_7 = arith.constant 1 : i32
      %scan3A_8 = scf.for %scan3A_45 = %scan3A_4 to %scan3A_6 step %scan3A_7 iter_args(%scan3A_46 = %scan3A) -> (i32)  : i32 {
        %mul3A = arith.constant 16 : i32
        %mul3A_47 = arith.muli %scan3A_45, %mul3A : i32
        %broadcast_in_dim3A_48 = vector.broadcast %mul3A_47 : i32 to vector<16xi32>
        %add3A = arith.addi %iota3A, %broadcast_in_dim3A_48 : vector<16xi32>
        %swap3A = arith.index_cast %mul3A_47 : i32 to index
        %swap3A_49 = tpu.vector_load %arg7[%swap3A] {strides = array<i32>} : memref<528xi32, #tpu.memory_space<vmem>>, vector<16xi32>,
        tpu.vector_store %arg7[%swap3A], %add3A {strides = array<i32>} : memref<528xi32, #tpu.memory_space<vmem>>, vector<16xi32>,
        %get3A = arith.index_cast %mul3A_47 : i32 to index
        %get3A_50 = tpu.vector_load %arg6[%get3A] {strides = array<i32>} : memref<528xi32, #tpu.memory_space<vmem>>, vector<16xi32>,
        %ge3A = arith.constant 0 : i32
        %ge3A_51 = vector.broadcast %ge3A : i32 to vector<16xi32>
        %ge3A_52 = arith.cmpi sge, %get3A_50, %ge3A_51 : vector<16xi32>
        %convert_element_type3A_53 = arith.extui %ge3A_52 : vector<16xi1> to vector<16xi32>
        %broadcast_in_dim3A_54 = arith.constant true
        %broadcast_in_dim3A_55 = vector.broadcast %broadcast_in_dim3A_54 : i1 to vector<16xi1>
        %masked_cumsum3A = tpu.scan <sum>, %convert_element_type3A_53 masked %broadcast_in_dim3A_55 : vector<16xi32>, vector<16xi1> -> vector<16xi32>
        %sub3A = arith.constant 1 : i32
        %sub3A_56 = arith.subi %scan3A_46, %sub3A : i32
        %broadcast_in_dim3A_57 = vector.broadcast %sub3A_56 : i32 to vector<16xi32>
        %add3A_58 = arith.addi %masked_cumsum3A, %broadcast_in_dim3A_57 : vector<16xi32>
        tpu.vector_store_idx %arg8[%add3A_58], %add3A masked %ge3A_52 : memref<528xi32, #tpu.memory_space<vmem>>[vector<16xi32>], vector<16xi32>, vector<16xi1>
        %reduce_sum3A = arith.constant true
        %reduce_sum3A_59 = vector.broadcast %reduce_sum3A : i1 to vector<16xi1>
        %reduce_sum3A_60 = tpu.scan <sum>, %convert_element_type3A_53 masked %reduce_sum3A_59 : vector<16xi32>, vector<16xi1> -> vector<16xi32>
        %reduce_sum3A_61 = vector.extract %reduce_sum3A_60[15] : i32 from vector<16xi32>
        %add3A_62 = arith.addi %scan3A_46, %reduce_sum3A_61 : i32
        scf.yield %add3A_62 : i32
      }
      %scan3A_9 = arith.constant 32 : i32
      %while3A = arith.constant 0 : i32
      %while3A_10 = arith.constant 0 : i32
      %while3A_11 = arith.subi %scan3A_8, %while3A_10 : i32
      %while3A_12 = arith.addi %while3A_10, %while3A_11 : i32
      %while3A_13 = arith.constant 1 : i32
      %while3A_14 = arith.divsi %while3A_11, %while3A_13 : i32
      %while3A_15 = arith.muli %while3A_14, %while3A_13 : i32
      %while3A_16 = arith.addi %while3A_10, %while3A_15 : i32
      %while3A_17 = arith.constant 1 : i32
      scf.for %while3A_45 = %while3A_10 to %while3A_16 step %while3A_17  : i32 {
        %broadcast_in_dim3A_46 = vector.broadcast %while3A_45 : i32 to vector<16xi32>
        %gather3A = tpu.vector_load_idx %arg8[%broadcast_in_dim3A_46] : memref<528xi32, #tpu.memory_space<vmem>>[vector<16xi32>], vector<16xi32>,
        %gather3A_47 = tpu.vector_load_idx %arg6[%gather3A] : memref<528xi32, #tpu.memory_space<vmem>>[vector<16xi32>], vector<16xi32>,
        %gather3A_48 = tpu.vector_load_idx %arg7[%gather3A] : memref<528xi32, #tpu.memory_space<vmem>>[vector<16xi32>], vector<16xi32>,
        %scan3A_49 = arith.constant 0 : i32
        %scan3A_50 = arith.constant 32 : i32
        %scan3A_51 = arith.addi %scan3A_49, %scan3A_50 : i32
        %scan3A_52 = arith.constant 1 : i32
        scf.for %scan3A_54 = %scan3A_49 to %scan3A_51 step %scan3A_52  : i32 {
          %mul3A = arith.constant 16 : i32
          %mul3A_55 = arith.muli %scan3A_54, %mul3A : i32
          %get3A = arith.index_cast %mul3A_55 : i32 to index
          %get3A_56 = tpu.vector_load %arg7[%get3A] {strides = array<i32>} : memref<528xi32, #tpu.memory_space<vmem>>, vector<16xi32>,
          %shift_right_arithmetic3A = arith.constant 4 : i32
          %shift_right_arithmetic3A_57 = vector.broadcast %shift_right_arithmetic3A : i32 to vector<16xi32>
          %shift_right_arithmetic3A_58 = arith.shrsi %get3A_56, %shift_right_arithmetic3A_57 : vector<16xi32>
          %gather3A_59 = tpu.vector_load_idx %arg5[%gather3A, %shift_right_arithmetic3A_58] : memref<512x32xi32, #tpu.memory_space<vmem>>[vector<16xi32>, vector<16xi32>], vector<16xi32>,
          %and3A_60 = arith.constant 15 : i32
          %and3A_61 = vector.broadcast %and3A_60 : i32 to vector<16xi32>
          %and3A_62 = arith.andi %get3A_56, %and3A_61 : vector<16xi32>
          %shift_right_arithmetic3A_63 = arith.shrsi %gather3A_59, %and3A_62 : vector<16xi32>
          %and3A_64 = arith.constant 1 : i32
          %and3A_65 = vector.broadcast %and3A_64 : i32 to vector<16xi32>
          %and3A_66 = arith.andi %shift_right_arithmetic3A_63, %and3A_65 : vector<16xi32>
          %ne3A = arith.constant 0 : i32
          %ne3A_67 = vector.broadcast %ne3A : i32 to vector<16xi32>
          %ne3A_68 = arith.cmpi ne, %and3A_66, %ne3A_67 : vector<16xi32>
          %eq3A_69 = arith.cmpi eq, %get3A_56, %gather3A_48 : vector<16xi32>
          %or3A = arith.ori %ne3A_68, %eq3A_69 : vector<16xi1>
          %select_n3A = arith.select %or3A, %gather3A_47, %get3A_56 : vector<16xi1>, vector<16xi32>
          %mul3A_70 = arith.constant 16 : i32
          %mul3A_71 = arith.muli %scan3A_54, %mul3A_70 : i32
          %swap3A = arith.index_cast %mul3A_71 : i32 to index
          %swap3A_72 = tpu.vector_load %arg7[%swap3A] {strides = array<i32>} : memref<528xi32, #tpu.memory_space<vmem>>, vector<16xi32>,
          tpu.vector_store %arg7[%swap3A], %select_n3A {strides = array<i32>} : memref<528xi32, #tpu.memory_space<vmem>>, vector<16xi32>,
        }
        %scan3A_53 = arith.constant 32 : i32
      }
      %while3A_18 = arith.constant 1 : i32
      scf.for %while3A_45 = %while3A_16 to %while3A_12 step %while3A_18  : i32 {
        %broadcast_in_dim3A_46 = vector.broadcast %while3A_45 : i32 to vector<16xi32>
        %gather3A = tpu.vector_load_idx %arg8[%broadcast_in_dim3A_46] : memref<528xi32, #tpu.memory_space<vmem>>[vector<16xi32>], vector<16xi32>,
        %gather3A_47 = tpu.vector_load_idx %arg6[%gather3A] : memref<528xi32, #tpu.memory_space<vmem>>[vector<16xi32>], vector<16xi32>,
        %gather3A_48 = tpu.vector_load_idx %arg7[%gather3A] : memref<528xi32, #tpu.memory_space<vmem>>[vector<16xi32>], vector<16xi32>,
        %scan3A_49 = arith.constant 0 : i32
        %scan3A_50 = arith.constant 32 : i32
        %scan3A_51 = arith.addi %scan3A_49, %scan3A_50 : i32
        %scan3A_52 = arith.constant 1 : i32
        scf.for %scan3A_54 = %scan3A_49 to %scan3A_51 step %scan3A_52  : i32 {
          %mul3A = arith.constant 16 : i32
          %mul3A_55 = arith.muli %scan3A_54, %mul3A : i32
          %get3A = arith.index_cast %mul3A_55 : i32 to index
          %get3A_56 = tpu.vector_load %arg7[%get3A] {strides = array<i32>} : memref<528xi32, #tpu.memory_space<vmem>>, vector<16xi32>,
          %shift_right_arithmetic3A = arith.constant 4 : i32
          %shift_right_arithmetic3A_57 = vector.broadcast %shift_right_arithmetic3A : i32 to vector<16xi32>
          %shift_right_arithmetic3A_58 = arith.shrsi %get3A_56, %shift_right_arithmetic3A_57 : vector<16xi32>
          %gather3A_59 = tpu.vector_load_idx %arg5[%gather3A, %shift_right_arithmetic3A_58] : memref<512x32xi32, #tpu.memory_space<vmem>>[vector<16xi32>, vector<16xi32>], vector<16xi32>,
          %and3A_60 = arith.constant 15 : i32
          %and3A_61 = vector.broadcast %and3A_60 : i32 to vector<16xi32>
          %and3A_62 = arith.andi %get3A_56, %and3A_61 : vector<16xi32>
          %shift_right_arithmetic3A_63 = arith.shrsi %gather3A_59, %and3A_62 : vector<16xi32>
          %and3A_64 = arith.constant 1 : i32
          %and3A_65 = vector.broadcast %and3A_64 : i32 to vector<16xi32>
          %and3A_66 = arith.andi %shift_right_arithmetic3A_63, %and3A_65 : vector<16xi32>
          %ne3A = arith.constant 0 : i32
          %ne3A_67 = vector.broadcast %ne3A : i32 to vector<16xi32>
          %ne3A_68 = arith.cmpi ne, %and3A_66, %ne3A_67 : vector<16xi32>
          %eq3A_69 = arith.cmpi eq, %get3A_56, %gather3A_48 : vector<16xi32>
          %or3A = arith.ori %ne3A_68, %eq3A_69 : vector<16xi1>
          %select_n3A = arith.select %or3A, %gather3A_47, %get3A_56 : vector<16xi1>, vector<16xi32>
          %mul3A_70 = arith.constant 16 : i32
          %mul3A_71 = arith.muli %scan3A_54, %mul3A_70 : i32
          %swap3A = arith.index_cast %mul3A_71 : i32 to index
          %swap3A_72 = tpu.vector_load %arg7[%swap3A] {strides = array<i32>} : memref<528xi32, #tpu.memory_space<vmem>>, vector<16xi32>,
          tpu.vector_store %arg7[%swap3A], %select_n3A {strides = array<i32>} : memref<528xi32, #tpu.memory_space<vmem>>, vector<16xi32>,
        }
        %scan3A_53 = arith.constant 32 : i32
      }
      %scan3A_19 = arith.constant 0 : i32
      %scan3A_20 = arith.constant 0 : i32
      %scan3A_21 = arith.constant 32 : i32
      %scan3A_22 = arith.addi %scan3A_20, %scan3A_21 : i32
      %scan3A_23 = arith.constant 1 : i32
      scf.for %scan3A_45 = %scan3A_20 to %scan3A_22 step %scan3A_23  : i32 {
        %broadcast_in_dim3A_46 = arith.constant 0 : i32
        %broadcast_in_dim3A_47 = vector.broadcast %broadcast_in_dim3A_46 : i32 to vector<16xi32>
        %mul3A = arith.constant 16 : i32
        %mul3A_48 = arith.muli %scan3A_45, %mul3A : i32
        %swap3A = arith.index_cast %mul3A_48 : i32 to index
        %swap3A_49 = tpu.vector_load %arg9[%swap3A] {strides = array<i32>} : memref<512xi32, #tpu.memory_space<vmem>>, vector<16xi32>,
        tpu.vector_store %arg9[%swap3A], %broadcast_in_dim3A_47 {strides = array<i32>} : memref<512xi32, #tpu.memory_space<vmem>>, vector<16xi32>,
      }
      %scan3A_24 = arith.constant 32 : i32
      %broadcast_in_dim3A = arith.constant 1 : i32
      %broadcast_in_dim3A_25 = vector.broadcast %broadcast_in_dim3A : i32 to vector<16xi32>
      %scan3A_26 = arith.constant 0 : i32
      %scan3A_27 = arith.constant 0 : i32
      %scan3A_28 = arith.constant 32 : i32
      %scan3A_29 = arith.addi %scan3A_27, %scan3A_28 : i32
      %scan3A_30 = arith.constant 1 : i32
      scf.for %scan3A_45 = %scan3A_27 to %scan3A_29 step %scan3A_30  : i32 {
        %mul3A = arith.constant 16 : i32
        %mul3A_46 = arith.muli %scan3A_45, %mul3A : i32
        %get3A = arith.index_cast %mul3A_46 : i32 to index
        %get3A_47 = tpu.vector_load %arg7[%get3A] {strides = array<i32>} : memref<528xi32, #tpu.memory_space<vmem>>, vector<16xi32>,
        tpu.vector_store_idx %arg9[%get3A_47], %broadcast_in_dim3A_25 : memref<512xi32, #tpu.memory_space<vmem>>[vector<16xi32>], vector<16xi32>,
      }
      %scan3A_31 = arith.constant 32 : i32
      %scan3A_32 = arith.constant 0 : i32
      %scan3A_33 = arith.constant 0 : i32
      %scan3A_34 = arith.constant 32 : i32
      %scan3A_35 = arith.addi %scan3A_33, %scan3A_34 : i32
      %scan3A_36 = arith.constant 1 : i32
      %scan3A_37 = scf.for %scan3A_45 = %scan3A_33 to %scan3A_35 step %scan3A_36 iter_args(%scan3A_46 = %scan3A_32) -> (i32)  : i32 {
        %mul3A = arith.constant 16 : i32
        %mul3A_47 = arith.muli %scan3A_45, %mul3A : i32
        %get3A = arith.index_cast %mul3A_47 : i32 to index
        %get3A_48 = tpu.vector_load %arg9[%get3A] {strides = array<i32>} : memref<512xi32, #tpu.memory_space<vmem>>, vector<16xi32>,
        %broadcast_in_dim3A_49 = arith.constant true
        %broadcast_in_dim3A_50 = vector.broadcast %broadcast_in_dim3A_49 : i1 to vector<16xi1>
        %masked_cumsum3A = tpu.scan <sum>, %get3A_48 masked %broadcast_in_dim3A_50 : vector<16xi32>, vector<16xi1> -> vector<16xi32>
        %sub3A = arith.constant 1 : i32
        %sub3A_51 = arith.subi %scan3A_46, %sub3A : i32
        %broadcast_in_dim3A_52 = vector.broadcast %sub3A_51 : i32 to vector<16xi32>
        %add3A = arith.addi %masked_cumsum3A, %broadcast_in_dim3A_52 : vector<16xi32>
        %mul3A_53 = arith.constant 16 : i32
        %mul3A_54 = arith.muli %scan3A_45, %mul3A_53 : i32
        %swap3A = arith.index_cast %mul3A_54 : i32 to index
        %swap3A_55 = tpu.vector_load %arg9[%swap3A] {strides = array<i32>} : memref<512xi32, #tpu.memory_space<vmem>>, vector<16xi32>,
        tpu.vector_store %arg9[%swap3A], %add3A {strides = array<i32>} : memref<512xi32, #tpu.memory_space<vmem>>, vector<16xi32>,
        %reduce_sum3A = arith.constant true
        %reduce_sum3A_56 = vector.broadcast %reduce_sum3A : i1 to vector<16xi1>
        %reduce_sum3A_57 = tpu.scan <sum>, %get3A_48 masked %reduce_sum3A_56 : vector<16xi32>, vector<16xi1> -> vector<16xi32>
        %reduce_sum3A_58 = vector.extract %reduce_sum3A_57[15] : i32 from vector<16xi32>
        %add3A_59 = arith.addi %scan3A_46, %reduce_sum3A_58 : i32
        scf.yield %add3A_59 : i32
      }
      %scan3A_38 = arith.constant 32 : i32
      %scan3A_39 = arith.constant 0 : i32
      %scan3A_40 = arith.constant 0 : i32
      %scan3A_41 = arith.constant 32 : i32
      %scan3A_42 = arith.addi %scan3A_40, %scan3A_41 : i32
      %scan3A_43 = arith.constant 1 : i32
      scf.for %scan3A_45 = %scan3A_40 to %scan3A_42 step %scan3A_43  : i32 {
        %mul3A = arith.constant 16 : i32
        %mul3A_46 = arith.muli %scan3A_45, %mul3A : i32
        %get3A = arith.index_cast %mul3A_46 : i32 to index
        %get3A_47 = tpu.vector_load %arg7[%get3A] {strides = array<i32>} : memref<528xi32, #tpu.memory_space<vmem>>, vector<16xi32>,
        %gather3A = tpu.vector_load_idx %arg9[%get3A_47] : memref<512xi32, #tpu.memory_space<vmem>>[vector<16xi32>], vector<16xi32>,
        %mul3A_48 = arith.constant 16 : i32
        %mul3A_49 = arith.muli %scan3A_45, %mul3A_48 : i32
        %swap3A = arith.index_cast %mul3A_49 : i32 to index
        %swap3A_50 = tpu.vector_load %arg10[%swap3A] {strides = array<i32>} : memref<512xi32, #tpu.memory_space<vmem>>, vector<16xi32>,
        tpu.vector_store %arg10[%swap3A], %gather3A {strides = array<i32>} : memref<512xi32, #tpu.memory_space<vmem>>, vector<16xi32>,
      }
      %scan3A_44 = arith.constant 32 : i32
      "tpu.region"() ({
        %run_scoped3A = tpu.sem_alloc : memref<!tpu.dma_semaphore, #tpu.memory_space<semaphore_mem>>
        tpu.enqueue_dma source(%arg10 : memref<512xi32, #tpu.memory_space<vmem>>) target(%arg4 : memref<512xi32, #tpu.memory_space<hbm>>) target_semaphore(%run_scoped3A : memref<!tpu.dma_semaphore, #tpu.memory_space<semaphore_mem>>)
        tpu.wait_dma2 semaphore(%run_scoped3A : memref<!tpu.dma_semaphore, #tpu.memory_space<semaphore_mem>>) src(%arg10 : memref<512xi32, #tpu.memory_space<vmem>>) dst(%arg4 : memref<512xi32, #tpu.memory_space<hbm>>)
        tpu.yield
      }) : () -> ()
    } else {
    }
    return
  }
}

module attributes {stable_mosaic.version = 14 : i64} {
  func.func @_tc_body(%arg0: memref<16x512xf32, #tpu.memory_space<vmem>>, %arg1: memref<16x512xf32, #tpu.memory_space<vmem>>, %arg2: memref<32x16xf32, #tpu.memory_space<vmem>>, %arg3: memref<1x32xf32, #tpu.memory_space<vmem>>, %arg4: memref<32x3xf32, #tpu.memory_space<vmem>>, %arg5: memref<1xf32, #tpu.memory_space<smem>>, %arg6: memref<16x512xf32, #tpu.memory_space<vmem>>, %arg7: memref<512x32xi32, #tpu.memory_space<vmem>>, %arg8: memref<512x1xi32, #tpu.memory_space<vmem>>, %arg9: memref<512x512xf32, #tpu.memory_space<vmem>>) attributes {dimension_semantics = [], scalar_prefetch = 0 : i64, scratch_operands = 1 : i64, tpu.core_type = #tpu.core_type<tc>} {
    %get3A = arith.constant 0 : index
    %get3A_0 = arith.constant 0 : index
    %get3A_1 = vector.load %arg0[%get3A, %get3A_0] : memref<16x512xf32, #tpu.memory_space<vmem>>, vector<16x512xf32>
    %get3A_2 = arith.constant 0 : index
    %get3A_3 = arith.constant 0 : index
    %get3A_4 = vector.load %arg1[%get3A_2, %get3A_3] : memref<16x512xf32, #tpu.memory_space<vmem>>, vector<16x512xf32>
    %get3A_5 = arith.constant 0 : index
    %get3A_6 = arith.constant 0 : index
    %get3A_7 = vector.load %arg2[%get3A_5, %get3A_6] : memref<32x16xf32, #tpu.memory_space<vmem>>, vector<32x16xf32>
    %get3A_8 = arith.constant 0 : index
    %get3A_9 = arith.constant 0 : index
    %get3A_10 = vector.load %arg3[%get3A_8, %get3A_9] : memref<1x32xf32, #tpu.memory_space<vmem>>, vector<1x32xf32>
    %get3A_11 = arith.constant 0 : index
    %get3A_12 = arith.constant 0 : index
    %get3A_13 = vector.load %arg4[%get3A_11, %get3A_12] : memref<32x3xf32, #tpu.memory_space<vmem>>, vector<32x3xf32>
    %get3A_14 = arith.constant 0 : index
    %get3A_15 = memref.load %arg5[%get3A_14] : memref<1xf32, #tpu.memory_space<smem>>
    %iota3A = tpu.iota {dimensions = array<i32: 0>} : vector<512x256xi32>
    %iota3A_16 = tpu.iota {dimensions = array<i32: 1>} : vector<512x256xi32>
    %iota3A_17 = tpu.iota {dimensions = array<i32: 0>} : vector<512x32xi32>
    %jit3A = arith.constant 32 : i32
    %eq3A = arith.constant 0 : i32
    %eq3A_18 = arith.cmpi eq, %jit3A, %eq3A : i32
    %jit3A_19 = arith.constant 1 : i32
    %select_n3A = arith.select %eq3A_18, %jit3A_19, %jit3A : i32
    %rem3A = vector.broadcast %select_n3A : i32 to vector<512x32xi32>
    %rem3A_20 = arith.remsi %iota3A_17, %rem3A : vector<512x32xi32>
    %ne3A = arith.constant 0 : i32
    %ne3A_21 = vector.broadcast %ne3A : i32 to vector<512x32xi32>
    %ne3A_22 = arith.cmpi ne, %rem3A_20, %ne3A_21 : vector<512x32xi32>
    %lt3A = arith.constant 0 : i32
    %lt3A_23 = vector.broadcast %lt3A : i32 to vector<512x32xi32>
    %lt3A_24 = arith.cmpi slt, %rem3A_20, %lt3A_23 : vector<512x32xi32>
    %lt3A_25 = arith.constant 0 : i32
    %lt3A_26 = arith.cmpi slt, %select_n3A, %lt3A_25 : i32
    %ne3A_27 = vector.broadcast %lt3A_26 : i1 to vector<512x32xi1>
    %ne3A_28 = vector.broadcast %ne3A_27 : vector<512x32xi1> to vector<512x32xi1>
    %ne3A_29 = arith.xori %lt3A_24, %ne3A_28 : vector<512x32xi1>
    %and3A = arith.andi %ne3A_29, %ne3A_22 : vector<512x32xi1>
    %add3A = vector.broadcast %select_n3A : i32 to vector<512x32xi32>
    %add3A_30 = arith.addi %rem3A_20, %add3A : vector<512x32xi32>
    %select_n3A_31 = arith.select %and3A, %add3A_30, %rem3A_20 : vector<512x32xi1>, vector<512x32xi32>
    %iota3A_32 = tpu.iota {dimensions = array<i32: 1>} : vector<512x32xi32>
    %eq3A_33 = arith.cmpi eq, %select_n3A_31, %iota3A_32 : vector<512x32xi32>
    %convert_element_type3A = arith.extui %eq3A_33 : vector<512x32xi1> to vector<512x32xi32>
    %convert_element_type3A_34 = arith.sitofp %convert_element_type3A : vector<512x32xi32> to vector<512x32xf32>
    %iota3A_35 = tpu.iota {dimensions = array<i32: 1>} : vector<16x256xi32>
    %jit3A_36 = arith.constant 16 : i32
    %eq3A_37 = arith.constant 0 : i32
    %eq3A_38 = arith.cmpi eq, %jit3A_36, %eq3A_37 : i32
    %jit3A_39 = arith.constant 1 : i32
    %select_n3A_40 = arith.select %eq3A_38, %jit3A_39, %jit3A_36 : i32
    %rem3A_41 = vector.broadcast %select_n3A_40 : i32 to vector<16x256xi32>
    %rem3A_42 = arith.remsi %iota3A_35, %rem3A_41 : vector<16x256xi32>
    %ne3A_43 = arith.constant 0 : i32
    %ne3A_44 = vector.broadcast %ne3A_43 : i32 to vector<16x256xi32>
    %ne3A_45 = arith.cmpi ne, %rem3A_42, %ne3A_44 : vector<16x256xi32>
    %lt3A_46 = arith.constant 0 : i32
    %lt3A_47 = vector.broadcast %lt3A_46 : i32 to vector<16x256xi32>
    %lt3A_48 = arith.cmpi slt, %rem3A_42, %lt3A_47 : vector<16x256xi32>
    %lt3A_49 = arith.constant 0 : i32
    %lt3A_50 = arith.cmpi slt, %select_n3A_40, %lt3A_49 : i32
    %ne3A_51 = vector.broadcast %lt3A_50 : i1 to vector<16x256xi1>
    %ne3A_52 = vector.broadcast %ne3A_51 : vector<16x256xi1> to vector<16x256xi1>
    %ne3A_53 = arith.xori %lt3A_48, %ne3A_52 : vector<16x256xi1>
    %and3A_54 = arith.andi %ne3A_53, %ne3A_45 : vector<16x256xi1>
    %add3A_55 = vector.broadcast %select_n3A_40 : i32 to vector<16x256xi32>
    %add3A_56 = arith.addi %rem3A_42, %add3A_55 : vector<16x256xi32>
    %select_n3A_57 = arith.select %and3A_54, %add3A_56, %rem3A_42 : vector<16x256xi1>, vector<16x256xi32>
    %iota3A_58 = tpu.iota {dimensions = array<i32: 0>} : vector<16x256xi32>
    %eq3A_59 = arith.cmpi eq, %select_n3A_57, %iota3A_58 : vector<16x256xi32>
    %convert_element_type3A_60 = arith.extui %eq3A_59 : vector<16x256xi1> to vector<16x256xi32>
    %convert_element_type3A_61 = arith.sitofp %convert_element_type3A_60 : vector<16x256xi32> to vector<16x256xf32>
    %dot_general3A = arith.constant dense<0.000000e+00> : vector<512x16xf32>
    %dot_general3A_62 = tpu.matmul %convert_element_type3A_34, %get3A_7, %dot_general3A {dimension_numbers = #tpu.dot_dimension_numbers<[1], [0], [0], [1], [0, 0, 1, 1], [], []>, precision = #tpu.contract_precision<fp32>, transpose_lhs_hint = false} : vector<512x32xf32>, vector<32x16xf32>, vector<512x16xf32> -> vector<512x16xf32>
    %dot_general3A_63 = arith.constant dense<0.000000e+00> : vector<512x256xf32>
    %dot_general3A_64 = tpu.matmul %dot_general3A_62, %convert_element_type3A_61, %dot_general3A_63 {dimension_numbers = #tpu.dot_dimension_numbers<[1], [0], [0], [1], [0, 0, 1, 1], [], []>, precision = #tpu.contract_precision<fp32>, transpose_lhs_hint = false} : vector<512x16xf32>, vector<16x256xf32>, vector<512x256xf32> -> vector<512x256xf32>
    %jit3A_65 = arith.constant 32 : i32
    %div3A = vector.broadcast %jit3A_65 : i32 to vector<512x256xi32>
    %div3A_66 = arith.divsi %iota3A, %div3A : vector<512x256xi32>
    %sign3A = arith.constant 0 : i32
    %sign3A_67 = vector.broadcast %sign3A : i32 to vector<512x256xi32>
    %sign3A_68 = arith.cmpi sgt, %iota3A, %sign3A_67 : vector<512x256xi32>
    %sign3A_69 = arith.extui %sign3A_68 : vector<512x256xi1> to vector<512x256xi32>
    %sign3A_70 = arith.constant 0 : i32
    %sign3A_71 = vector.broadcast %sign3A_70 : i32 to vector<512x256xi32>
    %sign3A_72 = arith.cmpi slt, %iota3A, %sign3A_71 : vector<512x256xi32>
    %sign3A_73 = arith.extui %sign3A_72 : vector<512x256xi1> to vector<512x256xi32>
    %sign3A_74 = arith.subi %sign3A_69, %sign3A_73 : vector<512x256xi32>
    %sign3A_75 = arith.constant 0 : i32
    %sign3A_76 = arith.cmpi sgt, %jit3A_65, %sign3A_75 : i32
    %sign3A_77 = arith.extui %sign3A_76 : i1 to i32
    %sign3A_78 = arith.constant 0 : i32
    %sign3A_79 = arith.cmpi slt, %jit3A_65, %sign3A_78 : i32
    %sign3A_80 = arith.extui %sign3A_79 : i1 to i32
    %sign3A_81 = arith.subi %sign3A_77, %sign3A_80 : i32
    %ne3A_82 = vector.broadcast %sign3A_81 : i32 to vector<512x256xi32>
    %ne3A_83 = arith.cmpi ne, %sign3A_74, %ne3A_82 : vector<512x256xi32>
    %rem3A_84 = vector.broadcast %jit3A_65 : i32 to vector<512x256xi32>
    %rem3A_85 = arith.remsi %iota3A, %rem3A_84 : vector<512x256xi32>
    %ne3A_86 = arith.constant 0 : i32
    %ne3A_87 = vector.broadcast %ne3A_86 : i32 to vector<512x256xi32>
    %ne3A_88 = arith.cmpi ne, %rem3A_85, %ne3A_87 : vector<512x256xi32>
    %and3A_89 = arith.andi %ne3A_83, %ne3A_88 : vector<512x256xi1>
    %sub3A = arith.constant 1 : i32
    %sub3A_90 = vector.broadcast %sub3A : i32 to vector<512x256xi32>
    %sub3A_91 = arith.subi %div3A_66, %sub3A_90 : vector<512x256xi32>
    %select_n3A_92 = arith.select %and3A_89, %sub3A_91, %div3A_66 : vector<512x256xi1>, vector<512x256xi32>
    %jit3A_93 = arith.constant 16 : i32
    %div3A_94 = vector.broadcast %jit3A_93 : i32 to vector<512x256xi32>
    %div3A_95 = arith.divsi %iota3A_16, %div3A_94 : vector<512x256xi32>
    %sign3A_96 = arith.constant 0 : i32
    %sign3A_97 = vector.broadcast %sign3A_96 : i32 to vector<512x256xi32>
    %sign3A_98 = arith.cmpi sgt, %iota3A_16, %sign3A_97 : vector<512x256xi32>
    %sign3A_99 = arith.extui %sign3A_98 : vector<512x256xi1> to vector<512x256xi32>
    %sign3A_100 = arith.constant 0 : i32
    %sign3A_101 = vector.broadcast %sign3A_100 : i32 to vector<512x256xi32>
    %sign3A_102 = arith.cmpi slt, %iota3A_16, %sign3A_101 : vector<512x256xi32>
    %sign3A_103 = arith.extui %sign3A_102 : vector<512x256xi1> to vector<512x256xi32>
    %sign3A_104 = arith.subi %sign3A_99, %sign3A_103 : vector<512x256xi32>
    %sign3A_105 = arith.constant 0 : i32
    %sign3A_106 = arith.cmpi sgt, %jit3A_93, %sign3A_105 : i32
    %sign3A_107 = arith.extui %sign3A_106 : i1 to i32
    %sign3A_108 = arith.constant 0 : i32
    %sign3A_109 = arith.cmpi slt, %jit3A_93, %sign3A_108 : i32
    %sign3A_110 = arith.extui %sign3A_109 : i1 to i32
    %sign3A_111 = arith.subi %sign3A_107, %sign3A_110 : i32
    %ne3A_112 = vector.broadcast %sign3A_111 : i32 to vector<512x256xi32>
    %ne3A_113 = arith.cmpi ne, %sign3A_104, %ne3A_112 : vector<512x256xi32>
    %rem3A_114 = vector.broadcast %jit3A_93 : i32 to vector<512x256xi32>
    %rem3A_115 = arith.remsi %iota3A_16, %rem3A_114 : vector<512x256xi32>
    %ne3A_116 = arith.constant 0 : i32
    %ne3A_117 = vector.broadcast %ne3A_116 : i32 to vector<512x256xi32>
    %ne3A_118 = arith.cmpi ne, %rem3A_115, %ne3A_117 : vector<512x256xi32>
    %and3A_119 = arith.andi %ne3A_113, %ne3A_118 : vector<512x256xi1>
    %sub3A_120 = arith.constant 1 : i32
    %sub3A_121 = vector.broadcast %sub3A_120 : i32 to vector<512x256xi32>
    %sub3A_122 = arith.subi %div3A_95, %sub3A_121 : vector<512x256xi32>
    %select_n3A_123 = arith.select %and3A_119, %sub3A_122, %div3A_95 : vector<512x256xi1>, vector<512x256xi32>
    %eq3A_124 = arith.cmpi eq, %select_n3A_92, %select_n3A_123 : vector<512x256xi32>
    %convert_element_type3A_125 = arith.extui %eq3A_124 : vector<512x256xi1> to vector<512x256xi32>
    %convert_element_type3A_126 = arith.sitofp %convert_element_type3A_125 : vector<512x256xi32> to vector<512x256xf32>
    %mul3A = arith.mulf %dot_general3A_64, %convert_element_type3A_126 : vector<512x256xf32>
    %convert_element_type3A_127 = arith.truncf %mul3A : vector<512x256xf32> to vector<512x256xbf16>
    %iota3A_128 = tpu.iota {dimensions = array<i32: 1>} : vector<32x512xi32>
    %jit3A_129 = arith.constant 32 : i32
    %eq3A_130 = arith.constant 0 : i32
    %eq3A_131 = arith.cmpi eq, %jit3A_129, %eq3A_130 : i32
    %jit3A_132 = arith.constant 1 : i32
    %select_n3A_133 = arith.select %eq3A_131, %jit3A_132, %jit3A_129 : i32
    %rem3A_134 = vector.broadcast %select_n3A_133 : i32 to vector<32x512xi32>
    %rem3A_135 = arith.remsi %iota3A_128, %rem3A_134 : vector<32x512xi32>
    %ne3A_136 = arith.constant 0 : i32
    %ne3A_137 = vector.broadcast %ne3A_136 : i32 to vector<32x512xi32>
    %ne3A_138 = arith.cmpi ne, %rem3A_135, %ne3A_137 : vector<32x512xi32>
    %lt3A_139 = arith.constant 0 : i32
    %lt3A_140 = vector.broadcast %lt3A_139 : i32 to vector<32x512xi32>
    %lt3A_141 = arith.cmpi slt, %rem3A_135, %lt3A_140 : vector<32x512xi32>
    %lt3A_142 = arith.constant 0 : i32
    %lt3A_143 = arith.cmpi slt, %select_n3A_133, %lt3A_142 : i32
    %ne3A_144 = vector.broadcast %lt3A_143 : i1 to vector<32x512xi1>
    %ne3A_145 = vector.broadcast %ne3A_144 : vector<32x512xi1> to vector<32x512xi1>
    %ne3A_146 = arith.xori %lt3A_141, %ne3A_145 : vector<32x512xi1>
    %and3A_147 = arith.andi %ne3A_146, %ne3A_138 : vector<32x512xi1>
    %add3A_148 = vector.broadcast %select_n3A_133 : i32 to vector<32x512xi32>
    %add3A_149 = arith.addi %rem3A_135, %add3A_148 : vector<32x512xi32>
    %select_n3A_150 = arith.select %and3A_147, %add3A_149, %rem3A_135 : vector<32x512xi1>, vector<32x512xi32>
    %iota3A_151 = tpu.iota {dimensions = array<i32: 0>} : vector<32x512xi32>
    %eq3A_152 = arith.cmpi eq, %select_n3A_150, %iota3A_151 : vector<32x512xi32>
    %convert_element_type3A_153 = arith.extui %eq3A_152 : vector<32x512xi1> to vector<32x512xi32>
    %convert_element_type3A_154 = arith.sitofp %convert_element_type3A_153 : vector<32x512xi32> to vector<32x512xf32>
    %dot_general3A_155 = arith.constant dense<0.000000e+00> : vector<1x512xf32>
    %dot_general3A_156 = tpu.matmul %get3A_10, %convert_element_type3A_154, %dot_general3A_155 {dimension_numbers = #tpu.dot_dimension_numbers<[1], [0], [0], [1], [0, 0, 1, 1], [], []>, precision = #tpu.contract_precision<fp32>, transpose_lhs_hint = false} : vector<1x32xf32>, vector<32x512xf32>, vector<1x512xf32> -> vector<1x512xf32>
    %iota3A_157 = tpu.iota {dimensions = array<i32: 0>} : vector<16x512xi32>
    %iota3A_158 = tpu.iota {dimensions = array<i32: 1>} : vector<16x512xi32>
    %jit3A_159 = arith.constant 32 : i32
    %div3A_160 = vector.broadcast %jit3A_159 : i32 to vector<16x512xi32>
    %div3A_161 = arith.divsi %iota3A_158, %div3A_160 : vector<16x512xi32>
    %sign3A_162 = arith.constant 0 : i32
    %sign3A_163 = vector.broadcast %sign3A_162 : i32 to vector<16x512xi32>
    %sign3A_164 = arith.cmpi sgt, %iota3A_158, %sign3A_163 : vector<16x512xi32>
    %sign3A_165 = arith.extui %sign3A_164 : vector<16x512xi1> to vector<16x512xi32>
    %sign3A_166 = arith.constant 0 : i32
    %sign3A_167 = vector.broadcast %sign3A_166 : i32 to vector<16x512xi32>
    %sign3A_168 = arith.cmpi slt, %iota3A_158, %sign3A_167 : vector<16x512xi32>
    %sign3A_169 = arith.extui %sign3A_168 : vector<16x512xi1> to vector<16x512xi32>
    %sign3A_170 = arith.subi %sign3A_165, %sign3A_169 : vector<16x512xi32>
    %sign3A_171 = arith.constant 0 : i32
    %sign3A_172 = arith.cmpi sgt, %jit3A_159, %sign3A_171 : i32
    %sign3A_173 = arith.extui %sign3A_172 : i1 to i32
    %sign3A_174 = arith.constant 0 : i32
    %sign3A_175 = arith.cmpi slt, %jit3A_159, %sign3A_174 : i32
    %sign3A_176 = arith.extui %sign3A_175 : i1 to i32
    %sign3A_177 = arith.subi %sign3A_173, %sign3A_176 : i32
    %ne3A_178 = vector.broadcast %sign3A_177 : i32 to vector<16x512xi32>
    %ne3A_179 = arith.cmpi ne, %sign3A_170, %ne3A_178 : vector<16x512xi32>
    %rem3A_180 = vector.broadcast %jit3A_159 : i32 to vector<16x512xi32>
    %rem3A_181 = arith.remsi %iota3A_158, %rem3A_180 : vector<16x512xi32>
    %ne3A_182 = arith.constant 0 : i32
    %ne3A_183 = vector.broadcast %ne3A_182 : i32 to vector<16x512xi32>
    %ne3A_184 = arith.cmpi ne, %rem3A_181, %ne3A_183 : vector<16x512xi32>
    %and3A_185 = arith.andi %ne3A_179, %ne3A_184 : vector<16x512xi1>
    %sub3A_186 = arith.constant 1 : i32
    %sub3A_187 = vector.broadcast %sub3A_186 : i32 to vector<16x512xi32>
    %sub3A_188 = arith.subi %div3A_161, %sub3A_187 : vector<16x512xi32>
    %select_n3A_189 = arith.select %and3A_185, %sub3A_188, %div3A_161 : vector<16x512xi1>, vector<16x512xi32>
    %eq3A_190 = arith.cmpi eq, %iota3A_157, %select_n3A_189 : vector<16x512xi32>
    %convert_element_type3A_191 = arith.extui %eq3A_190 : vector<16x512xi1> to vector<16x512xi32>
    %convert_element_type3A_192 = arith.sitofp %convert_element_type3A_191 : vector<16x512xi32> to vector<16x512xf32>
    %mul3A_193 = vector.broadcast %dot_general3A_156 : vector<1x512xf32> to vector<16x512xf32>
    %mul3A_194 = arith.mulf %mul3A_193, %convert_element_type3A_192 : vector<16x512xf32>
    %convert_element_type3A_195 = arith.truncf %mul3A_194 : vector<16x512xf32> to vector<16x512xbf16>
    %dot_general3A_196 = arith.constant dense<0.000000e+00> : vector<512x3xf32>
    %dot_general3A_197 = tpu.matmul %convert_element_type3A_34, %get3A_13, %dot_general3A_196 {dimension_numbers = #tpu.dot_dimension_numbers<[1], [0], [0], [1], [0, 0, 1, 1], [], []>, precision = #tpu.contract_precision<fp32>, transpose_lhs_hint = false} : vector<512x32xf32>, vector<32x3xf32>, vector<512x3xf32> -> vector<512x3xf32>
    %slice3A = vector.extract_strided_slice %dot_general3A_197 {offsets = [0, 0], sizes = [512, 1], strides = [1, 1]} : vector<512x3xf32> to vector<512x1xf32>
    %slice3A_198 = vector.extract_strided_slice %dot_general3A_197 {offsets = [0, 1], sizes = [512, 1], strides = [1, 1]} : vector<512x3xf32> to vector<512x1xf32>
    %slice3A_199 = vector.extract_strided_slice %dot_general3A_197 {offsets = [0, 2], sizes = [512, 1], strides = [1, 1]} : vector<512x3xf32> to vector<512x1xf32>
    %iota3A_200 = tpu.iota {dimensions = array<i32: 0>} : vector<256x16xi32>
    %jit3A_201 = arith.constant 16 : i32
    %eq3A_202 = arith.constant 0 : i32
    %eq3A_203 = arith.cmpi eq, %jit3A_201, %eq3A_202 : i32
    %jit3A_204 = arith.constant 1 : i32
    %select_n3A_205 = arith.select %eq3A_203, %jit3A_204, %jit3A_201 : i32
    %rem3A_206 = vector.broadcast %select_n3A_205 : i32 to vector<256x16xi32>
    %rem3A_207 = arith.remsi %iota3A_200, %rem3A_206 : vector<256x16xi32>
    %ne3A_208 = arith.constant 0 : i32
    %ne3A_209 = vector.broadcast %ne3A_208 : i32 to vector<256x16xi32>
    %ne3A_210 = arith.cmpi ne, %rem3A_207, %ne3A_209 : vector<256x16xi32>
    %lt3A_211 = arith.constant 0 : i32
    %lt3A_212 = vector.broadcast %lt3A_211 : i32 to vector<256x16xi32>
    %lt3A_213 = arith.cmpi slt, %rem3A_207, %lt3A_212 : vector<256x16xi32>
    %lt3A_214 = arith.constant 0 : i32
    %lt3A_215 = arith.cmpi slt, %select_n3A_205, %lt3A_214 : i32
    %ne3A_216 = vector.broadcast %lt3A_215 : i1 to vector<256x16xi1>
    %ne3A_217 = vector.broadcast %ne3A_216 : vector<256x16xi1> to vector<256x16xi1>
    %ne3A_218 = arith.xori %lt3A_213, %ne3A_217 : vector<256x16xi1>
    %and3A_219 = arith.andi %ne3A_218, %ne3A_210 : vector<256x16xi1>
    %add3A_220 = vector.broadcast %select_n3A_205 : i32 to vector<256x16xi32>
    %add3A_221 = arith.addi %rem3A_207, %add3A_220 : vector<256x16xi32>
    %select_n3A_222 = arith.select %and3A_219, %add3A_221, %rem3A_207 : vector<256x16xi1>, vector<256x16xi32>
    %iota3A_223 = tpu.iota {dimensions = array<i32: 1>} : vector<256x16xi32>
    %eq3A_224 = arith.cmpi eq, %select_n3A_222, %iota3A_223 : vector<256x16xi32>
    %convert_element_type3A_225 = arith.extui %eq3A_224 : vector<256x16xi1> to vector<256x16xi32>
    %convert_element_type3A_226 = arith.sitofp %convert_element_type3A_225 : vector<256x16xi32> to vector<256x16xf32>
    %iota3A_227 = tpu.iota {dimensions = array<i32: 0>} : vector<256x16xi32>
    %jit3A_228 = arith.constant 16 : i32
    %div3A_229 = vector.broadcast %jit3A_228 : i32 to vector<256x16xi32>
    %div3A_230 = arith.divsi %iota3A_227, %div3A_229 : vector<256x16xi32>
    %sign3A_231 = arith.constant 0 : i32
    %sign3A_232 = vector.broadcast %sign3A_231 : i32 to vector<256x16xi32>
    %sign3A_233 = arith.cmpi sgt, %iota3A_227, %sign3A_232 : vector<256x16xi32>
    %sign3A_234 = arith.extui %sign3A_233 : vector<256x16xi1> to vector<256x16xi32>
    %sign3A_235 = arith.constant 0 : i32
    %sign3A_236 = vector.broadcast %sign3A_235 : i32 to vector<256x16xi32>
    %sign3A_237 = arith.cmpi slt, %iota3A_227, %sign3A_236 : vector<256x16xi32>
    %sign3A_238 = arith.extui %sign3A_237 : vector<256x16xi1> to vector<256x16xi32>
    %sign3A_239 = arith.subi %sign3A_234, %sign3A_238 : vector<256x16xi32>
    %sign3A_240 = arith.constant 0 : i32
    %sign3A_241 = arith.cmpi sgt, %jit3A_228, %sign3A_240 : i32
    %sign3A_242 = arith.extui %sign3A_241 : i1 to i32
    %sign3A_243 = arith.constant 0 : i32
    %sign3A_244 = arith.cmpi slt, %jit3A_228, %sign3A_243 : i32
    %sign3A_245 = arith.extui %sign3A_244 : i1 to i32
    %sign3A_246 = arith.subi %sign3A_242, %sign3A_245 : i32
    %ne3A_247 = vector.broadcast %sign3A_246 : i32 to vector<256x16xi32>
    %ne3A_248 = arith.cmpi ne, %sign3A_239, %ne3A_247 : vector<256x16xi32>
    %rem3A_249 = vector.broadcast %jit3A_228 : i32 to vector<256x16xi32>
    %rem3A_250 = arith.remsi %iota3A_227, %rem3A_249 : vector<256x16xi32>
    %ne3A_251 = arith.constant 0 : i32
    %ne3A_252 = vector.broadcast %ne3A_251 : i32 to vector<256x16xi32>
    %ne3A_253 = arith.cmpi ne, %rem3A_250, %ne3A_252 : vector<256x16xi32>
    %and3A_254 = arith.andi %ne3A_248, %ne3A_253 : vector<256x16xi1>
    %sub3A_255 = arith.constant 1 : i32
    %sub3A_256 = vector.broadcast %sub3A_255 : i32 to vector<256x16xi32>
    %sub3A_257 = arith.subi %div3A_230, %sub3A_256 : vector<256x16xi32>
    %select_n3A_258 = arith.select %and3A_254, %sub3A_257, %div3A_230 : vector<256x16xi1>, vector<256x16xi32>
    %iota3A_259 = tpu.iota {dimensions = array<i32: 1>} : vector<256x16xi32>
    %eq3A_260 = arith.cmpi eq, %select_n3A_258, %iota3A_259 : vector<256x16xi32>
    %convert_element_type3A_261 = arith.extui %eq3A_260 : vector<256x16xi1> to vector<256x16xi32>
    %convert_element_type3A_262 = arith.sitofp %convert_element_type3A_261 : vector<256x16xi32> to vector<256x16xf32>
    %dot_general3A_263 = arith.constant dense<0.000000e+00> : vector<256x512xf32>
    %dot_general3A_264 = tpu.matmul %convert_element_type3A_226, %get3A_1, %dot_general3A_263 {dimension_numbers = #tpu.dot_dimension_numbers<[1], [0], [0], [1], [0, 0, 1, 1], [], []>, precision = #tpu.contract_precision<fp32>, transpose_lhs_hint = false} : vector<256x16xf32>, vector<16x512xf32>, vector<256x512xf32> -> vector<256x512xf32>
    %iota3A_265 = tpu.iota {dimensions = array<i32: 0>} : vector<512x16xi32>
    %iota3A_266 = tpu.iota {dimensions = array<i32: 1>} : vector<512x16xi32>
    %scan3A = arith.constant 0 : i32
    %scan3A_267 = arith.constant 32 : i32
    %scan3A_268 = arith.addi %scan3A, %scan3A_267 : i32
    %scan3A_269 = arith.constant 4 : i32
    scf.for %scan3A_340 = %scan3A to %scan3A_268 step %scan3A_269  : i32 {
      %mul3A_341 = arith.constant 16 : i32
      %mul3A_342 = arith.muli %scan3A_340, %mul3A_341 : i32
      %multiple_of3A = tpu.assume_multiple %mul3A_342, 16 : i32
      %add3A_343 = vector.broadcast %multiple_of3A : i32 to vector<512x16xi32>
      %add3A_344 = arith.addi %iota3A_266, %add3A_343 : vector<512x16xi32>
      %eq3A_345 = arith.cmpi eq, %iota3A_265, %add3A_344 : vector<512x16xi32>
      %convert_element_type3A_346 = arith.extui %eq3A_345 : vector<512x16xi1> to vector<512x16xi32>
      %convert_element_type3A_347 = arith.sitofp %convert_element_type3A_346 : vector<512x16xi32> to vector<512x16xf32>
      %dot_general3A_348 = arith.constant dense<0.000000e+00> : vector<16x16xf32>
      %dot_general3A_349 = tpu.matmul %get3A_1, %convert_element_type3A_347, %dot_general3A_348 {dimension_numbers = #tpu.dot_dimension_numbers<[1], [0], [0], [1], [0, 0, 1, 1], [], []>, precision = #tpu.contract_precision<fp32>, transpose_lhs_hint = false} : vector<16x512xf32>, vector<512x16xf32>, vector<16x16xf32> -> vector<16x16xf32>
      %dot_general3A_350 = arith.constant dense<0.000000e+00> : vector<256x16xf32>
      %dot_general3A_351 = tpu.matmul %convert_element_type3A_226, %dot_general3A_349, %dot_general3A_350 {dimension_numbers = #tpu.dot_dimension_numbers<[1], [0], [0], [1], [0, 0, 1, 1], [], []>, precision = #tpu.contract_precision<fp32>, transpose_lhs_hint = false} : vector<256x16xf32>, vector<16x16xf32>, vector<256x16xf32> -> vector<256x16xf32>
      %mul3A_352 = arith.mulf %dot_general3A_351, %convert_element_type3A_262 : vector<256x16xf32>
      %reduce_sum3A_353 = arith.constant dense<0.000000e+00> : vector<256xf32>
      %reduce_sum3A_354 = vector.multi_reduction <add>, %mul3A_352, %reduce_sum3A_353 [1] : vector<256x16xf32> to vector<256xf32>
      %broadcast_in_dim3A_355 = vector.shape_cast %reduce_sum3A_354 : vector<256xf32> to vector<256x1xf32>
      %sub3A_356 = vector.broadcast %broadcast_in_dim3A_355 : vector<256x1xf32> to vector<256x512xf32>
      %sub3A_357 = arith.subf %sub3A_356, %dot_general3A_264 : vector<256x512xf32>
      %convert_element_type3A_358 = arith.truncf %sub3A_357 : vector<256x512xf32> to vector<256x512xbf16>
      %dot_general3A_359 = arith.constant dense<0.000000e+00> : vector<512x512xf32>
      %dot_general3A_360 = tpu.matmul %convert_element_type3A_127, %convert_element_type3A_358, %dot_general3A_359 {dimension_numbers = #tpu.dot_dimension_numbers<[1], [0], [0], [1], [0, 0, 1, 1], [], []>, transpose_lhs_hint = false} : vector<512x256xbf16>, vector<256x512xbf16>, vector<512x512xf32> -> vector<512x512xf32>
      %add3A_361 = vector.broadcast %slice3A : vector<512x1xf32> to vector<512x512xf32>
      %add3A_362 = arith.addf %dot_general3A_360, %add3A_361 : vector<512x512xf32>
      %max3A = arith.constant 0.000000e+00 : f32
      %max3A_363 = vector.broadcast %max3A : f32 to vector<512x512xf32>
      %max3A_364 = arith.maximumf %add3A_362, %max3A_363 : vector<512x512xf32>
      %mul3A_365 = vector.broadcast %slice3A_198 : vector<512x1xf32> to vector<512x512xf32>
      %mul3A_366 = arith.mulf %max3A_364, %mul3A_365 : vector<512x512xf32>
      %add3A_367 = vector.broadcast %slice3A_199 : vector<512x1xf32> to vector<512x512xf32>
      %add3A_368 = arith.addf %mul3A_366, %add3A_367 : vector<512x512xf32>
      %convert_element_type3A_369 = arith.truncf %add3A_368 : vector<512x512xf32> to vector<512x512xbf16>
      %dot_general3A_370 = arith.constant dense<0.000000e+00> : vector<16x512xf32>
      %dot_general3A_371 = tpu.matmul %convert_element_type3A_195, %convert_element_type3A_369, %dot_general3A_370 {dimension_numbers = #tpu.dot_dimension_numbers<[1], [0], [0], [1], [0, 0, 1, 1], [], []>, transpose_lhs_hint = false} : vector<16x512xbf16>, vector<512x512xbf16>, vector<16x512xf32> -> vector<16x512xf32>
      %add3A_372 = vector.broadcast %get3A_15 : f32 to vector<16x512xf32>
      %add3A_373 = arith.addf %dot_general3A_371, %add3A_372 : vector<16x512xf32>
      %exp3A_374 = math.exp %add3A_373 : vector<16x512xf32>
      %swap3A_375 = arith.index_cast %multiple_of3A : i32 to index
      %swap3A_376 = arith.constant 0 : index
      %swap3A_377 = vector.load %arg9[%swap3A_375, %swap3A_376] : memref<512x512xf32, #tpu.memory_space<vmem>>, vector<16x512xf32>
      tpu.vector_store %arg9[%swap3A_375, %swap3A_376], %exp3A_374 {strides = array<i32>} : memref<512x512xf32, #tpu.memory_space<vmem>>, vector<16x512xf32>,
      %scan3A_378 = arith.constant 1 : i32
      %scan3A_379 = arith.addi %scan3A_340, %scan3A_378 : i32
      %mul3A_380 = arith.constant 16 : i32
      %mul3A_381 = arith.muli %scan3A_379, %mul3A_380 : i32
      %multiple_of3A_382 = tpu.assume_multiple %mul3A_381, 16 : i32
      %add3A_383 = vector.broadcast %multiple_of3A_382 : i32 to vector<512x16xi32>
      %add3A_384 = arith.addi %iota3A_266, %add3A_383 : vector<512x16xi32>
      %eq3A_385 = arith.cmpi eq, %iota3A_265, %add3A_384 : vector<512x16xi32>
      %convert_element_type3A_386 = arith.extui %eq3A_385 : vector<512x16xi1> to vector<512x16xi32>
      %convert_element_type3A_387 = arith.sitofp %convert_element_type3A_386 : vector<512x16xi32> to vector<512x16xf32>
      %dot_general3A_388 = arith.constant dense<0.000000e+00> : vector<16x16xf32>
      %dot_general3A_389 = tpu.matmul %get3A_1, %convert_element_type3A_387, %dot_general3A_388 {dimension_numbers = #tpu.dot_dimension_numbers<[1], [0], [0], [1], [0, 0, 1, 1], [], []>, precision = #tpu.contract_precision<fp32>, transpose_lhs_hint = false} : vector<16x512xf32>, vector<512x16xf32>, vector<16x16xf32> -> vector<16x16xf32>
      %dot_general3A_390 = arith.constant dense<0.000000e+00> : vector<256x16xf32>
      %dot_general3A_391 = tpu.matmul %convert_element_type3A_226, %dot_general3A_389, %dot_general3A_390 {dimension_numbers = #tpu.dot_dimension_numbers<[1], [0], [0], [1], [0, 0, 1, 1], [], []>, precision = #tpu.contract_precision<fp32>, transpose_lhs_hint = false} : vector<256x16xf32>, vector<16x16xf32>, vector<256x16xf32> -> vector<256x16xf32>
      %mul3A_392 = arith.mulf %dot_general3A_391, %convert_element_type3A_262 : vector<256x16xf32>
      %reduce_sum3A_393 = arith.constant dense<0.000000e+00> : vector<256xf32>
      %reduce_sum3A_394 = vector.multi_reduction <add>, %mul3A_392, %reduce_sum3A_393 [1] : vector<256x16xf32> to vector<256xf32>
      %broadcast_in_dim3A_395 = vector.shape_cast %reduce_sum3A_394 : vector<256xf32> to vector<256x1xf32>
      %sub3A_396 = vector.broadcast %broadcast_in_dim3A_395 : vector<256x1xf32> to vector<256x512xf32>
      %sub3A_397 = arith.subf %sub3A_396, %dot_general3A_264 : vector<256x512xf32>
      %convert_element_type3A_398 = arith.truncf %sub3A_397 : vector<256x512xf32> to vector<256x512xbf16>
      %dot_general3A_399 = arith.constant dense<0.000000e+00> : vector<512x512xf32>
      %dot_general3A_400 = tpu.matmul %convert_element_type3A_127, %convert_element_type3A_398, %dot_general3A_399 {dimension_numbers = #tpu.dot_dimension_numbers<[1], [0], [0], [1], [0, 0, 1, 1], [], []>, transpose_lhs_hint = false} : vector<512x256xbf16>, vector<256x512xbf16>, vector<512x512xf32> -> vector<512x512xf32>
      %add3A_401 = vector.broadcast %slice3A : vector<512x1xf32> to vector<512x512xf32>
      %add3A_402 = arith.addf %dot_general3A_400, %add3A_401 : vector<512x512xf32>
      %max3A_403 = arith.constant 0.000000e+00 : f32
      %max3A_404 = vector.broadcast %max3A_403 : f32 to vector<512x512xf32>
      %max3A_405 = arith.maximumf %add3A_402, %max3A_404 : vector<512x512xf32>
      %mul3A_406 = vector.broadcast %slice3A_198 : vector<512x1xf32> to vector<512x512xf32>
      %mul3A_407 = arith.mulf %max3A_405, %mul3A_406 : vector<512x512xf32>
      %add3A_408 = vector.broadcast %slice3A_199 : vector<512x1xf32> to vector<512x512xf32>
      %add3A_409 = arith.addf %mul3A_407, %add3A_408 : vector<512x512xf32>
      %convert_element_type3A_410 = arith.truncf %add3A_409 : vector<512x512xf32> to vector<512x512xbf16>
      %dot_general3A_411 = arith.constant dense<0.000000e+00> : vector<16x512xf32>
      %dot_general3A_412 = tpu.matmul %convert_element_type3A_195, %convert_element_type3A_410, %dot_general3A_411 {dimension_numbers = #tpu.dot_dimension_numbers<[1], [0], [0], [1], [0, 0, 1, 1], [], []>, transpose_lhs_hint = false} : vector<16x512xbf16>, vector<512x512xbf16>, vector<16x512xf32> -> vector<16x512xf32>
      %add3A_413 = vector.broadcast %get3A_15 : f32 to vector<16x512xf32>
      %add3A_414 = arith.addf %dot_general3A_412, %add3A_413 : vector<16x512xf32>
      %exp3A_415 = math.exp %add3A_414 : vector<16x512xf32>
      %swap3A_416 = arith.index_cast %multiple_of3A_382 : i32 to index
      %swap3A_417 = arith.constant 0 : index
      %swap3A_418 = vector.load %arg9[%swap3A_416, %swap3A_417] : memref<512x512xf32, #tpu.memory_space<vmem>>, vector<16x512xf32>
      tpu.vector_store %arg9[%swap3A_416, %swap3A_417], %exp3A_415 {strides = array<i32>} : memref<512x512xf32, #tpu.memory_space<vmem>>, vector<16x512xf32>,
      %scan3A_419 = arith.constant 2 : i32
      %scan3A_420 = arith.addi %scan3A_340, %scan3A_419 : i32
      %mul3A_421 = arith.constant 16 : i32
      %mul3A_422 = arith.muli %scan3A_420, %mul3A_421 : i32
      %multiple_of3A_423 = tpu.assume_multiple %mul3A_422, 16 : i32
      %add3A_424 = vector.broadcast %multiple_of3A_423 : i32 to vector<512x16xi32>
      %add3A_425 = arith.addi %iota3A_266, %add3A_424 : vector<512x16xi32>
      %eq3A_426 = arith.cmpi eq, %iota3A_265, %add3A_425 : vector<512x16xi32>
      %convert_element_type3A_427 = arith.extui %eq3A_426 : vector<512x16xi1> to vector<512x16xi32>
      %convert_element_type3A_428 = arith.sitofp %convert_element_type3A_427 : vector<512x16xi32> to vector<512x16xf32>
      %dot_general3A_429 = arith.constant dense<0.000000e+00> : vector<16x16xf32>
      %dot_general3A_430 = tpu.matmul %get3A_1, %convert_element_type3A_428, %dot_general3A_429 {dimension_numbers = #tpu.dot_dimension_numbers<[1], [0], [0], [1], [0, 0, 1, 1], [], []>, precision = #tpu.contract_precision<fp32>, transpose_lhs_hint = false} : vector<16x512xf32>, vector<512x16xf32>, vector<16x16xf32> -> vector<16x16xf32>
      %dot_general3A_431 = arith.constant dense<0.000000e+00> : vector<256x16xf32>
      %dot_general3A_432 = tpu.matmul %convert_element_type3A_226, %dot_general3A_430, %dot_general3A_431 {dimension_numbers = #tpu.dot_dimension_numbers<[1], [0], [0], [1], [0, 0, 1, 1], [], []>, precision = #tpu.contract_precision<fp32>, transpose_lhs_hint = false} : vector<256x16xf32>, vector<16x16xf32>, vector<256x16xf32> -> vector<256x16xf32>
      %mul3A_433 = arith.mulf %dot_general3A_432, %convert_element_type3A_262 : vector<256x16xf32>
      %reduce_sum3A_434 = arith.constant dense<0.000000e+00> : vector<256xf32>
      %reduce_sum3A_435 = vector.multi_reduction <add>, %mul3A_433, %reduce_sum3A_434 [1] : vector<256x16xf32> to vector<256xf32>
      %broadcast_in_dim3A_436 = vector.shape_cast %reduce_sum3A_435 : vector<256xf32> to vector<256x1xf32>
      %sub3A_437 = vector.broadcast %broadcast_in_dim3A_436 : vector<256x1xf32> to vector<256x512xf32>
      %sub3A_438 = arith.subf %sub3A_437, %dot_general3A_264 : vector<256x512xf32>
      %convert_element_type3A_439 = arith.truncf %sub3A_438 : vector<256x512xf32> to vector<256x512xbf16>
      %dot_general3A_440 = arith.constant dense<0.000000e+00> : vector<512x512xf32>
      %dot_general3A_441 = tpu.matmul %convert_element_type3A_127, %convert_element_type3A_439, %dot_general3A_440 {dimension_numbers = #tpu.dot_dimension_numbers<[1], [0], [0], [1], [0, 0, 1, 1], [], []>, transpose_lhs_hint = false} : vector<512x256xbf16>, vector<256x512xbf16>, vector<512x512xf32> -> vector<512x512xf32>
      %add3A_442 = vector.broadcast %slice3A : vector<512x1xf32> to vector<512x512xf32>
      %add3A_443 = arith.addf %dot_general3A_441, %add3A_442 : vector<512x512xf32>
      %max3A_444 = arith.constant 0.000000e+00 : f32
      %max3A_445 = vector.broadcast %max3A_444 : f32 to vector<512x512xf32>
      %max3A_446 = arith.maximumf %add3A_443, %max3A_445 : vector<512x512xf32>
      %mul3A_447 = vector.broadcast %slice3A_198 : vector<512x1xf32> to vector<512x512xf32>
      %mul3A_448 = arith.mulf %max3A_446, %mul3A_447 : vector<512x512xf32>
      %add3A_449 = vector.broadcast %slice3A_199 : vector<512x1xf32> to vector<512x512xf32>
      %add3A_450 = arith.addf %mul3A_448, %add3A_449 : vector<512x512xf32>
      %convert_element_type3A_451 = arith.truncf %add3A_450 : vector<512x512xf32> to vector<512x512xbf16>
      %dot_general3A_452 = arith.constant dense<0.000000e+00> : vector<16x512xf32>
      %dot_general3A_453 = tpu.matmul %convert_element_type3A_195, %convert_element_type3A_451, %dot_general3A_452 {dimension_numbers = #tpu.dot_dimension_numbers<[1], [0], [0], [1], [0, 0, 1, 1], [], []>, transpose_lhs_hint = false} : vector<16x512xbf16>, vector<512x512xbf16>, vector<16x512xf32> -> vector<16x512xf32>
      %add3A_454 = vector.broadcast %get3A_15 : f32 to vector<16x512xf32>
      %add3A_455 = arith.addf %dot_general3A_453, %add3A_454 : vector<16x512xf32>
      %exp3A_456 = math.exp %add3A_455 : vector<16x512xf32>
      %swap3A_457 = arith.index_cast %multiple_of3A_423 : i32 to index
      %swap3A_458 = arith.constant 0 : index
      %swap3A_459 = vector.load %arg9[%swap3A_457, %swap3A_458] : memref<512x512xf32, #tpu.memory_space<vmem>>, vector<16x512xf32>
      tpu.vector_store %arg9[%swap3A_457, %swap3A_458], %exp3A_456 {strides = array<i32>} : memref<512x512xf32, #tpu.memory_space<vmem>>, vector<16x512xf32>,
      %scan3A_460 = arith.constant 3 : i32
      %scan3A_461 = arith.addi %scan3A_340, %scan3A_460 : i32
      %mul3A_462 = arith.constant 16 : i32
      %mul3A_463 = arith.muli %scan3A_461, %mul3A_462 : i32
      %multiple_of3A_464 = tpu.assume_multiple %mul3A_463, 16 : i32
      %add3A_465 = vector.broadcast %multiple_of3A_464 : i32 to vector<512x16xi32>
      %add3A_466 = arith.addi %iota3A_266, %add3A_465 : vector<512x16xi32>
      %eq3A_467 = arith.cmpi eq, %iota3A_265, %add3A_466 : vector<512x16xi32>
      %convert_element_type3A_468 = arith.extui %eq3A_467 : vector<512x16xi1> to vector<512x16xi32>
      %convert_element_type3A_469 = arith.sitofp %convert_element_type3A_468 : vector<512x16xi32> to vector<512x16xf32>
      %dot_general3A_470 = arith.constant dense<0.000000e+00> : vector<16x16xf32>
      %dot_general3A_471 = tpu.matmul %get3A_1, %convert_element_type3A_469, %dot_general3A_470 {dimension_numbers = #tpu.dot_dimension_numbers<[1], [0], [0], [1], [0, 0, 1, 1], [], []>, precision = #tpu.contract_precision<fp32>, transpose_lhs_hint = false} : vector<16x512xf32>, vector<512x16xf32>, vector<16x16xf32> -> vector<16x16xf32>
      %dot_general3A_472 = arith.constant dense<0.000000e+00> : vector<256x16xf32>
      %dot_general3A_473 = tpu.matmul %convert_element_type3A_226, %dot_general3A_471, %dot_general3A_472 {dimension_numbers = #tpu.dot_dimension_numbers<[1], [0], [0], [1], [0, 0, 1, 1], [], []>, precision = #tpu.contract_precision<fp32>, transpose_lhs_hint = false} : vector<256x16xf32>, vector<16x16xf32>, vector<256x16xf32> -> vector<256x16xf32>
      %mul3A_474 = arith.mulf %dot_general3A_473, %convert_element_type3A_262 : vector<256x16xf32>
      %reduce_sum3A_475 = arith.constant dense<0.000000e+00> : vector<256xf32>
      %reduce_sum3A_476 = vector.multi_reduction <add>, %mul3A_474, %reduce_sum3A_475 [1] : vector<256x16xf32> to vector<256xf32>
      %broadcast_in_dim3A_477 = vector.shape_cast %reduce_sum3A_476 : vector<256xf32> to vector<256x1xf32>
      %sub3A_478 = vector.broadcast %broadcast_in_dim3A_477 : vector<256x1xf32> to vector<256x512xf32>
      %sub3A_479 = arith.subf %sub3A_478, %dot_general3A_264 : vector<256x512xf32>
      %convert_element_type3A_480 = arith.truncf %sub3A_479 : vector<256x512xf32> to vector<256x512xbf16>
      %dot_general3A_481 = arith.constant dense<0.000000e+00> : vector<512x512xf32>
      %dot_general3A_482 = tpu.matmul %convert_element_type3A_127, %convert_element_type3A_480, %dot_general3A_481 {dimension_numbers = #tpu.dot_dimension_numbers<[1], [0], [0], [1], [0, 0, 1, 1], [], []>, transpose_lhs_hint = false} : vector<512x256xbf16>, vector<256x512xbf16>, vector<512x512xf32> -> vector<512x512xf32>
      %add3A_483 = vector.broadcast %slice3A : vector<512x1xf32> to vector<512x512xf32>
      %add3A_484 = arith.addf %dot_general3A_482, %add3A_483 : vector<512x512xf32>
      %max3A_485 = arith.constant 0.000000e+00 : f32
      %max3A_486 = vector.broadcast %max3A_485 : f32 to vector<512x512xf32>
      %max3A_487 = arith.maximumf %add3A_484, %max3A_486 : vector<512x512xf32>
      %mul3A_488 = vector.broadcast %slice3A_198 : vector<512x1xf32> to vector<512x512xf32>
      %mul3A_489 = arith.mulf %max3A_487, %mul3A_488 : vector<512x512xf32>
      %add3A_490 = vector.broadcast %slice3A_199 : vector<512x1xf32> to vector<512x512xf32>
      %add3A_491 = arith.addf %mul3A_489, %add3A_490 : vector<512x512xf32>
      %convert_element_type3A_492 = arith.truncf %add3A_491 : vector<512x512xf32> to vector<512x512xbf16>
      %dot_general3A_493 = arith.constant dense<0.000000e+00> : vector<16x512xf32>
      %dot_general3A_494 = tpu.matmul %convert_element_type3A_195, %convert_element_type3A_492, %dot_general3A_493 {dimension_numbers = #tpu.dot_dimension_numbers<[1], [0], [0], [1], [0, 0, 1, 1], [], []>, transpose_lhs_hint = false} : vector<16x512xbf16>, vector<512x512xbf16>, vector<16x512xf32> -> vector<16x512xf32>
      %add3A_495 = vector.broadcast %get3A_15 : f32 to vector<16x512xf32>
      %add3A_496 = arith.addf %dot_general3A_494, %add3A_495 : vector<16x512xf32>
      %exp3A_497 = math.exp %add3A_496 : vector<16x512xf32>
      %swap3A_498 = arith.index_cast %multiple_of3A_464 : i32 to index
      %swap3A_499 = arith.constant 0 : index
      %swap3A_500 = vector.load %arg9[%swap3A_498, %swap3A_499] : memref<512x512xf32, #tpu.memory_space<vmem>>, vector<16x512xf32>
      tpu.vector_store %arg9[%swap3A_498, %swap3A_499], %exp3A_497 {strides = array<i32>} : memref<512x512xf32, #tpu.memory_space<vmem>>, vector<16x512xf32>,
    }
    %scan3A_270 = arith.constant 32 : i32
    %get3A_271 = arith.constant 0 : index
    %get3A_272 = arith.constant 0 : index
    %get3A_273 = vector.load %arg9[%get3A_271, %get3A_272] : memref<512x512xf32, #tpu.memory_space<vmem>>, vector<512x512xf32>
    %transpose3A = tpu.transpose %get3A_273, [1, 0] : vector<512x512xf32> -> vector<512x512xf32>
    %add3A_274 = arith.addf %get3A_273, %transpose3A : vector<512x512xf32>
    %mul3A_275 = arith.constant 5.000000e-01 : f32
    %mul3A_276 = vector.broadcast %mul3A_275 : f32 to vector<512x512xf32>
    %mul3A_277 = arith.mulf %mul3A_276, %add3A_274 : vector<512x512xf32>
    %sub3A_278 = arith.constant 1.000000e+00 : f32
    %sub3A_279 = vector.broadcast %sub3A_278 : f32 to vector<512x512xf32>
    %sub3A_280 = arith.subf %sub3A_279, %mul3A_277 : vector<512x512xf32>
    %mul3A_281 = arith.constant 1.000000e+01 : f32
    %mul3A_282 = vector.broadcast %mul3A_281 : f32 to vector<512x512xf32>
    %mul3A_283 = arith.mulf %sub3A_280, %mul3A_282 : vector<512x512xf32>
    %neg3A = arith.constant 0.000000e+00 : f32
    %neg3A_284 = vector.broadcast %neg3A : f32 to vector<512x512xf32>
    %neg3A_285 = arith.subf %neg3A_284, %mul3A_283 : vector<512x512xf32>
    %exp3A = math.exp %neg3A_285 : vector<512x512xf32>
    %add3A_286 = arith.constant 1.000000e+00 : f32
    %add3A_287 = vector.broadcast %add3A_286 : f32 to vector<512x512xf32>
    %add3A_288 = arith.addf %add3A_287, %exp3A : vector<512x512xf32>
    %div3A_289 = arith.constant 1.000000e+00 : f32
    %div3A_290 = vector.broadcast %div3A_289 : f32 to vector<512x512xf32>
    %div3A_291 = arith.divf %div3A_290, %add3A_288 : vector<512x512xf32>
    %reduce_sum3A = arith.constant dense<0.000000e+00> : vector<512xf32>
    %reduce_sum3A_292 = vector.multi_reduction <add>, %div3A_291, %reduce_sum3A [0] : vector<512x512xf32> to vector<512xf32>
    %broadcast_in_dim3A = vector.shape_cast %reduce_sum3A_292 : vector<512xf32> to vector<1x512xf32>
    %div3A_293 = vector.broadcast %broadcast_in_dim3A : vector<1x512xf32> to vector<512x512xf32>
    %div3A_294 = arith.divf %div3A_291, %div3A_293 : vector<512x512xf32>
    %dot_general3A_295 = arith.constant dense<0.000000e+00> : vector<16x512xf32>
    %dot_general3A_296 = tpu.matmul %get3A_4, %div3A_294, %dot_general3A_295 {dimension_numbers = #tpu.dot_dimension_numbers<[1], [0], [0], [1], [0, 0, 1, 1], [], []>, precision = #tpu.contract_precision<fp32>, transpose_lhs_hint = false} : vector<16x512xf32>, vector<512x512xf32>, vector<16x512xf32> -> vector<16x512xf32>
    %sub3A_297 = arith.subf %get3A_4, %dot_general3A_296 : vector<16x512xf32>
    %add3A_298 = arith.addf %sub3A_297, %dot_general3A_296 : vector<16x512xf32>
    %swap3A = arith.constant 0 : index
    %swap3A_299 = arith.constant 0 : index
    %swap3A_300 = vector.load %arg6[%swap3A, %swap3A_299] : memref<16x512xf32, #tpu.memory_space<vmem>>, vector<16x512xf32>
    tpu.vector_store %arg6[%swap3A, %swap3A_299], %add3A_298 {strides = array<i32>} : memref<16x512xf32, #tpu.memory_space<vmem>>, vector<16x512xf32>,
    %iota3A_301 = tpu.iota {dimensions = array<i32: 0>} : vector<512x512xi32>
    %iota3A_302 = tpu.iota {dimensions = array<i32: 1>} : vector<512x512xi32>
    %lt3A_303 = arith.cmpi slt, %iota3A_302, %iota3A_301 : vector<512x512xi32>
    %le3A = arith.constant 1.000000e+00 : f32
    %le3A_304 = vector.broadcast %le3A : f32 to vector<512x512xf32>
    %le3A_305 = arith.cmpf ole, %mul3A_277, %le3A_304 : vector<512x512xf32>
    %and3A_306 = arith.andi %lt3A_303, %le3A_305 : vector<512x512xi1>
    %jit3A_307 = arith.constant -1 : i32
    %broadcast_in_dim3A_308 = vector.broadcast %jit3A_307 : i32 to vector<512x512xi32>
    %select_n3A_309 = arith.select %and3A_306, %iota3A_302, %broadcast_in_dim3A_308 : vector<512x512xi1>, vector<512x512xi32>
    %reduce_max3A = arith.constant dense<-2147483648> : vector<512xi32>
    %reduce_max3A_310 = vector.multi_reduction <maxsi>, %select_n3A_309, %reduce_max3A [1] : vector<512x512xi32> to vector<512xi32>
    %broadcast_in_dim3A_311 = vector.shape_cast %reduce_max3A_310 : vector<512xi32> to vector<512x1xi32>
    %swap3A_312 = arith.constant 0 : index
    %swap3A_313 = arith.constant 0 : index
    %swap3A_314 = vector.load %arg8[%swap3A_312, %swap3A_313] : memref<512x1xi32, #tpu.memory_space<vmem>>, vector<512x1xi32>
    tpu.vector_store %arg8[%swap3A_312, %swap3A_313], %broadcast_in_dim3A_311 {strides = array<i32>} : memref<512x1xi32, #tpu.memory_space<vmem>>, vector<512x1xi32>,
    %ne3A_315 = vector.broadcast %broadcast_in_dim3A_311 : vector<512x1xi32> to vector<512x512xi32>
    %ne3A_316 = arith.cmpi ne, %iota3A_302, %ne3A_315 : vector<512x512xi32>
    %and3A_317 = arith.andi %and3A_306, %ne3A_316 : vector<512x512xi1>
    %convert_element_type3A_318 = arith.extui %and3A_317 : vector<512x512xi1> to vector<512x512xi32>
    %convert_element_type3A_319 = arith.sitofp %convert_element_type3A_318 : vector<512x512xi32> to vector<512x512xf32>
    %iota3A_320 = tpu.iota {dimensions = array<i32: 0>} : vector<512x32xi32>
    %iota3A_321 = tpu.iota {dimensions = array<i32: 1>} : vector<512x32xi32>
    %shift_right_arithmetic3A = arith.constant 4 : i32
    %shift_right_arithmetic3A_322 = vector.broadcast %shift_right_arithmetic3A : i32 to vector<512x32xi32>
    %shift_right_arithmetic3A_323 = arith.shrsi %iota3A_320, %shift_right_arithmetic3A_322 : vector<512x32xi32>
    %eq3A_324 = arith.cmpi eq, %shift_right_arithmetic3A_323, %iota3A_321 : vector<512x32xi32>
    %and3A_325 = arith.constant 15 : i32
    %and3A_326 = vector.broadcast %and3A_325 : i32 to vector<512x32xi32>
    %and3A_327 = arith.andi %iota3A_320, %and3A_326 : vector<512x32xi32>
    %shift_left3A = arith.constant 1 : i32
    %shift_left3A_328 = vector.broadcast %shift_left3A : i32 to vector<512x32xi32>
    %shift_left3A_329 = arith.shli %shift_left3A_328, %and3A_327 : vector<512x32xi32>
    %jit3A_330 = arith.constant 0 : i32
    %broadcast_in_dim3A_331 = vector.broadcast %jit3A_330 : i32 to vector<512x32xi32>
    %select_n3A_332 = arith.select %eq3A_324, %shift_left3A_329, %broadcast_in_dim3A_331 : vector<512x32xi1>, vector<512x32xi32>
    %convert_element_type3A_333 = arith.sitofp %select_n3A_332 : vector<512x32xi32> to vector<512x32xf32>
    %dot_general3A_334 = arith.constant dense<0.000000e+00> : vector<512x32xf32>
    %dot_general3A_335 = tpu.matmul %convert_element_type3A_319, %convert_element_type3A_333, %dot_general3A_334 {dimension_numbers = #tpu.dot_dimension_numbers<[1], [0], [0], [1], [0, 0, 1, 1], [], []>, precision = #tpu.contract_precision<fp32>, transpose_lhs_hint = false} : vector<512x512xf32>, vector<512x32xf32>, vector<512x32xf32> -> vector<512x32xf32>
    %convert_element_type3A_336 = arith.fptosi %dot_general3A_335 : vector<512x32xf32> to vector<512x32xi32>
    %swap3A_337 = arith.constant 0 : index
    %swap3A_338 = arith.constant 0 : index
    %swap3A_339 = vector.load %arg7[%swap3A_337, %swap3A_338] : memref<512x32xi32, #tpu.memory_space<vmem>>, vector<512x32xi32>
    tpu.vector_store %arg7[%swap3A_337, %swap3A_338], %convert_element_type3A_336 {strides = array<i32>} : memref<512x32xi32, #tpu.memory_space<vmem>>, vector<512x32xi32>,
    return
  }
}

</mosaic_0001>

<sc_bundles>
// kernel: kernel.4.cloned.1.call-start
scs
__scs_entry_jumppad:
0x0: {  	(pc) =	sbr.rel $0x88, $3  }
0x1: {  	(tag) =	ssettag $0x0;
	lr =	simm.s32 $0x1  }
0x2: {  	[smem:$0x3F99] =	sst lr;
	_ =	strace $0xD0000000  }
0x3: {  	_ = 	snop  }
0x4: {  	_ = 	snop  }
0x5: {  	_ = 	snop  }
0x6: {  	_ = 	snop  }
0x7: {  	_ = 	snop  }
__scs_overlays_trampoline_lowered:
0x8: {  	[smem:$0x3FA8] =	sst s0  }
0x9: {  	[smem:$0x3FA9] =	sst s1  }
0xa: {  	[smem:$0x3FAA] =	sst s2  }
0xb: {  	[smem:$0x3FAB] =	sst s3  }
0xc: {  	[smem:$0x3FAC] =	sst s4  }
0xd: {  	[smem:$0x3FAD] =	sst s5  }
0xe: {  	[smem:$0x3FAE] =	sst s6  }
0xf: {  	[smem:$0x3FAF] =	sst s7  }
0x10: {  	[smem:$0x3FB0] =	sst s8  }
0x11: {  	[smem:$0x3FB1] =	sst s9;
	s0 =	simm.s32 @!p0 $0x0  }
0x12: {  	s1 =	sld [smem:$0x3F97];
	s0 =	simm.s32 @p0 $0x1  }
0x13: {  	[smem:$0x3FB2] =	sst s0;
	s0 =	simm.s32 @!p1 $0x0  }
0x14: {  	s2 =	sld [smem:$0x3F96];
	s0 =	simm.s32 @p1 $0x1  }
0x15: {  	[smem:$0x3FB3] =	sst s0;
	s0 =	simm.s32 @!p2 $0x0  }
0x16: {  	s3 =	sld [smem:$0x3FDB];
	s0 =	simm.s32 @p2 $0x1  }
0x17: {  	s4 =	simm.s32 $0x1BF5;
	[smem:$0x3FB5] =	sst s0  }
0x18: {  	s0 =	sld [smem:$0x3F98];
	_ =	swait.ge [sflag:s4], $0x0  }
0x19: {  	s7 =	sld [smem:$0x3F99]  }
0x1a: {  	s8 =	sadd.s32 $0xFFFFE003, lr  }
0x1b: {  	s9 =	sadd.s32 $0xFFFFFEF7, lr;
	s5 =	simm.s32 $0xFFFFFFFF;
	p2 =	slt.u32 s8, $0xFFFFF086  }
0x1c: {  	p1 =	slt.u32 s9, $0xF7A;
	s5 =	simm.s32 @!p2 $0x0  }
0x1d: {  	s5 =	simm.s32 @p1 $0x1;
	p0 =	seq.s32 s7, s2  }
0x1e: {  	s7 =	smul.u32 @!p0 $0xF7A, s2;
	p2 =	seq.s32 @!p0 s5, $0x0  }
0x1f: {  	s9 =	smul.u32 $0xF7A, s1;
	s8 =	simm.s32 @!p0 $0x1BF5;
	p2 =	por !p2, p0  }
0x20: {  	[sflag:s8] =	ssyncset.s32 @!p0 $0xFFFFF086;
	s6 =	sadd.s32 @!p0 s3, s7;
	s7 =	simm.s32 @!p0 $0x108  }
0x21: {  	s3 =	sadd.s32 s3, s9;
	s6 =	sadd.s32 @!p0 $0x88, s6;
	s7 =	simm.s32 @p2 $0x1082  }
0x22: {  	[simem:s7], [sflag:s8] =	dma.local @!p0 [hbm:s6], $0xF7A  }
0x23: {  	s9 =	sor.u32 $0xD0000000, s2;
	s6 =	simm.s32 $0x108;
	_ =	swait.ge @!p0 [sflag:s8], $0x0  }
0x24: {  	s3 =	sadd.s32 $0x88, s3;
	s6 =	simm.s32 @!p1 $0x1082;
	[sflag:s4] =	ssyncset.s32 $0xFFFFF086  }
0x25: {  	[simem:s6], [sflag:s4] =	dma.local [hbm:s3], $0xF7A  }
0x26: {  	[smem:$0x3F99] =	sst s1;
	(tag) =	ssettag s2;
	_ =	strace s9  }
0x27: {  	s1 =	sld [smem:$0x3FA9]  }
0x28: {  	s2 =	sld [smem:$0x3FAA]  }
0x29: {  	s4 =	sld [smem:$0x3FAC]  }
0x2a: {  	p0 =	seq.s32 s5, $0x0;
	s5 =	sld [smem:$0x3FAD]  }
0x2b: {  	s6 =	sld [smem:$0x3FAE]  }
0x2c: {  	s7 =	sld [smem:$0x3FAF]  }
0x2d: {  	s3 =	simm.s32 $0x108;
	s8 =	sld [smem:$0x3FB0]  }
0x2e: {  	s3 =	simm.s32 @!p0 $0x1082;
	s9 =	sld [smem:$0x3FB1]  }
0x2f: {  	lr =	sadd.s32 s0, s3;
	s0 =	sld [smem:$0x3FA8]  }
0x30: {  	s3 =	sld [smem:$0x3FAB]  }
0x31: {  	[smem:$0x3FB4] =	sst s10  }
0x32: {  	s10 =	sld [smem:$0x3FB2];
	_ =	sdelay $0x3  }
0x33: {  	p0 =	seq.s32 s10, $0x1;
	s10 =	sld [smem:$0x3FB4];
	_ =	sdelay $0x3  }
0x34: {  	[smem:$0x3FB4] =	sst s10  }
0x35: {  	s10 =	sld [smem:$0x3FB3];
	_ =	sdelay $0x3  }
0x36: {  	p1 =	seq.s32 s10, $0x1;
	s10 =	sld [smem:$0x3FB4];
	_ =	sdelay $0x3  }
0x37: {  	[smem:$0x3FB4] =	sst s10  }
0x38: {  	s10 =	sld [smem:$0x3FB5]  }
0x39: {  	_ = 	snop;
	(pc) =	sbr.ind lr, $3  }
0x3a: {  	_ = 	snop  }
0x3b: {  	_ = 	snop  }
0x3c: {  	p2 =	seq.s32 s10, $0x1;
	s10 =	sld [smem:$0x3FB4]  }
0x3d: {  	_ =	shalt  }
0x3e: {  	_ =	shalt  }
0x3f: {  	_ =	shalt  }
0x40: {  	_ =	shalt  }
0x41: {  	_ =	shalt  }
0x42: {  	_ =	shalt  }
0x43: {  	_ =	shalt  }
0x44: {  	_ =	shalt  }
0x45: {  	_ =	shalt  }
0x46: {  	_ =	shalt  }
0x47: {  	_ =	shalt  }
0x48: {  	_ =	shalt  }
0x49: {  	_ =	shalt  }
0x4a: {  	_ =	shalt  }
0x4b: {  	_ =	shalt  }
0x4c: {  	_ =	shalt  }
0x4d: {  	_ =	shalt  }
0x4e: {  	_ =	shalt  }
0x4f: {  	_ =	shalt  }
0x50: {  	_ =	shalt  }
0x51: {  	_ =	shalt  }
0x52: {  	_ =	shalt  }
0x53: {  	_ =	shalt  }
0x54: {  	_ =	shalt  }
0x55: {  	_ =	shalt  }
0x56: {  	_ =	shalt  }
0x57: {  	_ =	shalt  }
0x58: {  	_ =	shalt  }
0x59: {  	_ =	shalt  }
0x5a: {  	_ =	shalt  }
0x5b: {  	_ =	shalt  }
0x5c: {  	_ =	shalt  }
0x5d: {  	_ =	shalt  }
0x5e: {  	_ =	shalt  }
0x5f: {  	_ =	shalt  }
0x60: {  	_ =	shalt  }
0x61: {  	_ =	shalt  }
0x62: {  	_ =	shalt  }
0x63: {  	_ =	shalt  }
0x64: {  	_ =	shalt  }
0x65: {  	_ =	shalt  }
0x66: {  	_ =	shalt  }
0x67: {  	_ =	shalt  }
0x68: {  	_ =	shalt  }
0x69: {  	_ =	shalt  }
0x6a: {  	_ =	shalt  }
0x6b: {  	_ =	shalt  }
0x6c: {  	_ =	shalt  }
0x6d: {  	_ =	shalt  }
0x6e: {  	_ =	shalt  }
0x6f: {  	_ =	shalt  }
0x70: {  	_ =	shalt  }
0x71: {  	_ =	shalt  }
0x72: {  	_ =	shalt  }
0x73: {  	_ =	shalt  }
0x74: {  	_ =	shalt  }
0x75: {  	_ =	shalt  }
0x76: {  	_ =	shalt  }
0x77: {  	_ =	shalt  }
0x78: {  	_ =	shalt  }
0x79: {  	_ =	shalt  }
0x7a: {  	_ =	shalt  }
0x7b: {  	_ =	shalt  }
0x7c: {  	_ =	shalt  }
0x7d: {  	_ =	shalt  }
0x7e: {  	_ =	shalt  }
0x7f: {  	_ =	shalt  }
0x80: {  	_ =	shalt  }
0x81: {  	_ =	shalt  }
0x82: {  	_ =	shalt  }
0x83: {  	_ =	shalt  }
0x84: {  	_ =	shalt  }
0x85: {  	_ =	shalt  }
0x86: {  	_ =	shalt  }
0x87: {  	_ =	shalt  }
.Lfunc_end0:
.L_simem_size_0:
called_computation_lowered:
.L_overlay_start_0:
0x88: {  	s2 =	sld [smem:$0x3FD9]  }
0x89: {  	s3 =	sld [smem:$0x3FFE];
	_ =	sdelay $0x1  }
0x8a: {  	s1 =	srdreg.scid  }
0x8b: {  	s0 =	sand.u32 $0x1, s1  }
0x8c: {  	s14 =	sshll.u32 s0, $0xA;
	s2 =	sadd.s32 s3, s2  }
0x8d: {  	s2 =	sadd.s32 s2, s14  }
0x8e: {  	[smem:$0x3FC0] =	sst s2  }
0x8f: {  	_ = 	snop  }
0x90: {  	s2 =	sld [smem:$0x3FD0];
	_ =	sdelay $0x2  }
0x91: {  	s15 =	simm.s32 $0xA;
	s4 =	simm.s32 $0x10  }
0x92: {  	[smem:s4], [sflag:s15] =	dma.local [hbm:s2], $0x1  }
0x93: {  	_ =	swait.eq [sflag:s15], $0x1  }
0x94: {  	[sflag:s15] =	ssyncset.done $0x0  }
0x95: {  	[sflag:s15] =	ssyncadd.s32 $0xFFFFFFFF  }
0x96: {  	s16 =	sld [smem:$0x11];
	(tm) =	ssettm $0x1  }
0x97: {  	s17 =	sld [smem:$0x3FFB];
	_ =	sdelay $0x3  }
0x98: {  	_ =	strace s17  }
0x99: {  	s3 =	sld [smem:$0x3FFC];
	_ =	sdelay $0x3  }
0x9a: {  	_ =	strace s3  }
0x9b: {  	s3 =	sld [smem:$0x3FFD];
	_ =	sdelay $0x3  }
0x9c: {  	_ =	strace s3  }
0x9d: {  	_ =	strace $0x8FFFFFFF  }
0x9e: {  	s18 =	sld [smem:$0x3FDB];
	_ =	sdelay $0x1  }
0x9f: {  	s19 =	simm.s32 $_scs_section_size  }
0xa0: {  	s5 =	simm.s32 $_size__tile_overlayer_lowered;
	s6 =	simm.s32 $_tile_overlayer_lowered  }
0xa1: {  	s22 =	simm.s32 $0x1BFF;
	s21 =	sshll.u32 s6, $0x1;
	s3 =	sadd.s32 s19, s18  }
0xa2: {  	s7 =	simm.s32 $0x0;
	s20 =	sshll.u32 s5, $0x1;
	s5 =	sadd.s32 s21, s3  }
0xa3: {  	[timem:s7], [sflag:s22] =	dma.local [hbm:s5], s20  }
0xa4: {  	_ =	swait.ge [sflag:s22], s20  }
0xa5: {  	s4 =	ssub.s32 $0x0, s20;
	[sflag:s22] =	ssyncset.done $0x0  }
0xa6: {  	[sflag:s22] =	ssyncadd.s32 s4;
	_ =	sdelay $0x1  }
0xa7: {  	s23 =	simm.s32 $0x1B8B  }
0xa8: {  	_ =	swait.ge [sflag:s23], $0x1  }
0xa9: {  	[sflag:s23] =	ssyncset.done $0x0  }
0xaa: {  	s25 =	simm.s32 $0x1B8E;
	s24 =	sld [smem:$0x3FFE];
	[sflag:s23] =	ssyncadd.s32 $0xFFFFFFFF  }
0xab: {  	s26 =	simm.s32 $execute0_lowered;
	[smem:$0x3FD2] =	sst s25  }
0xac: {  	s5 =	sshll.u32 s26, $0x1;
	_ =	strace $0x80000046;
	[dreg:$0x1] =	wrdreg $0xFFFFFFFF  }
0xad: {  	s28 =	simm.s32 $_size_execute0_lowered;
	s3 =	sadd.s32 s3, s5;
	[dreg:$0x0] =	wrdreg $0x0  }
0xae: {  	s5 =	sshll.u32 s28, $0x1;
	[dreg:$0x2] =	wrdreg s3  }
0xaf: {  	[dreg:$0x3] =	wrdreg s5  }
0xb0: {  	[dreg:$0x4] =	wrdreg $0xC0  }
0xb1: {  	_ =	task [dreg:s7], $0x5FFFF  }
0xb2: {  	[dreg:$0x1] =	wrdreg $0xFFFFFFFF  }
0xb3: {  	[dreg:$0x0] =	wrdreg $0x60  }
0xb4: {  	[dreg:$0x2] =	wrdreg s24  }
0xb5: {  	[dreg:$0x3] =	wrdreg s16  }
0xb6: {  	[dreg:$0x4] =	wrdreg $0x9  }
0xb7: {  	_ =	task.clear_ibuf [dreg:s7], $0x5FFFF;
	_ =	strace $0x90000046  }
0xb8: {  	s29 =	simm.s32 $0x9;
	_ =	strace $0x80000048  }
0xb9: {  	_ =	swait.ge [sflag:s29], $0x1  }
0xba: {  	[sflag:s29] =	ssyncadd.s32 $0xFFFFFFFF  }
0xbb: {  	_ =	strace $0x90000048  }
0xbc: {  	_ =	sfence  }
0xbd: {  	s30 =	sld [smem:$0x0];
	_ =	sdelay $0x2  }
0xbe: {  	s31 =	sshll.u32 s1, $0xD;
	s1 =	sshrl.u32 s1, $0x2  }
0xbf: {  	s3 =	sand.u32 $0x4000, s31;
	s1 =	sadd.s32 s1, s30  }
0xc0: {  	s0 =	sor.u32 s3, s0;
	s1 =	sshll.u32 s1, $0x11  }
0xc1: {  	s0 =	sor.u32 s1, s0  }
0xc2: {  	s0 =	sadd.s32 $0x8F2B, s0  }
0xc3: {  	[sflag:s0] =	ssyncadd.remote.s32 $0x1  }
0xc4: {  	_ =	sfence.sel $0xFFFF  }
0xc5: {  	[dreg:$0x0] =	wrdreg $0xFFFFFFFF;
	(pc) =	sbr.abs _section_cstart, $3  }
0xc6: {  	[dreg:$0x1] =	wrdreg $0xFFFFFFFF  }
0xc7: {  	_ =	task.clear_ibuf [dreg:s7], $0x2FFFF;
	_ =	strace $0x9FFFFFFF  }
0xc8: {  	(tm) =	ssettm $0x7FFFFFFF  }
0xc9: {  	_ =	shalt  }
tec
execute0_lowered:
.L_overlay_start_1:
0x0: {  	(tag) =	ssettag $0x1  }
0x1: {  	s0 =	srdreg.scid  }
0x2: {  	s3 =	sand.u32 $0x1, s0;
	s0 =	stileid.u32  }
0x3: {  	s5 =	sor.u32 s0, s3  }
0x4: {  	p0 =	sne.s32 s5, $0x0  }
.Ltmp0:
0x5: {  	_ = 	snop;
	(pc) =	sbr.rel @p0 .LBB2_10-.Ltmp0, $4  }
0x6: {  	_ = 	snop  }
0x7: {  	s4 =	rddreg [dreg:$0x0]  }
0x8: {  	s2 =	rddreg [dreg:$0x1]  }
0x9: {  	s1 =	rddreg [dreg:$0x2];
	_ =	strace $0x80000047  }
0xa: {  	s5 =	ssub.s32 $0x2, s3  }
0xb: {  	s3 =	sadd.s32 $0x1000, s4;
	s4 =	sadd.s32 $0x3000, s4;
	s7 =	simm.s32 $0x1  }
0xc: {  	s8 =	simm.s32 $0x10500;
	s9 =	simm.s32 $0x10000;
	s10 =	simm.s32 $0x10280  }
0xd: {  	s11 =	simm.s32 $0x10780;
	s12 =	simm.s32 $0x10980;
	s6 =	sshrl.u32 s5, $0x1  }
0xe: {  	v0 =	vlaneseq.u32;
	v1 =	vimm.s32 $0x0;
	v2 =	vimm.s32 $0x1;
	s13 =	simm.s32 $0x0;
	s5 =	ssub.s32 s5, s6;
	s6 =	simm.s32 $0x0  }
.LBB2_2:
0xf: {  	[tilespmem:s6], [sflag:$0x1] =	stream.linear.gather [hbm4b:s3+s6], $0x10000, $0x38;
	[tilespmem:$0x10B80] =	vst v63  }
0x10: {  	_ =	swait.ge [sflag:s7], $0x10000  }
0x11: {  	[sflag:s7] =	ssyncset.done $0x0  }
0x12: {  	[sflag:s7] =	ssyncadd.s32 $0xFFFF0000  }
0x13: {  	[tilespmem:s9], [sflag:$0x1] =	stream.linear.gather [hbm4b:s4+s6], $0x200, $0x38;
	[tilespmem:$0x10B80] =	vst v63  }
0x14: {  	_ =	swait.ge [sflag:s7], $0x200  }
0x15: {  	[sflag:s7] =	ssyncset.done $0x0  }
0x16: {  	v4 =	vor.u32 s6, v0;
	[sflag:s7] =	ssyncadd.s32 $0xFFFFFE00  }
0x17: {  	[tilespmem:s10+$0x0] =	vst v4  }
0x18: {  	v3 =	vld [tilespmem:s9+$0x0];
	_ =	sdelay $0x4  }
0x19: {  	vm0 =	vgt.s32 v3, $0xFFFFFFFF  }
0x1a: {  	v3 =	vsel vm0, $0x1, v1  }
0x1b: {  	(xrf0) =	vadd.scan.msk.s32 $0xffff, v3;
	_ =	sdelay $0x5  }
0x1c: {  	s14 =	simm.s32 $0xFFFFFFFF;
	v3, _, _ =	vpop (xrf0)  }
0x1d: {  	v5 =	vadd.s32 s14, v3;
	(v2sf) =	vpush v3, $0xF;
	_ =	sdelay $0x3  }
0x1e: {  	s31 =	simm.s32 $0x10;
	s15 =	simm.s32 $0x20  }
0x1f: {  	s16 =	simm.s32 $0x10290;
	s17 =	simm.s32 $0x10000;
	v3 =	vor.u32 s31, v0;
	s14 =	simm.s32 $0x0;
	[tilespmem:v5+s8+$0x0] =	vst.idx.msk vm0, v4  }
.LBB2_3:
0x20: {  	p0 =	seq.s32 s15, $0x1F0;
	[tilespmem:s16+$0x0] =	vst v3;
	s17 =	sadd.s32 $0x10, s17  }
0x21: {  	v4 =	vld [tilespmem:s17+$0x0];
	_ =	sdelay $0x4  }
0x22: {  	vm0 =	vgt.s32 v4, $0xFFFFFFFF  }
0x23: {  	v4 =	vsel vm0, $0x1, v1  }
0x24: {  	(xrf0) =	vadd.scan.msk.s32 $0xffff, v4  }
0x25: {  	s18 =	spop (v2sf)  }
0x26: {  	s14 =	sadd.s32 s14, s18  }
0x27: {  	s18 =	sadd.s32 $0xFFFFFFFF, s14;
	_ =	sdelay $0x2  }
0x28: {  	v4, _, _ =	vpop (xrf0)  }
0x29: {  	v5 =	vadd.s32 s18, v4;
	(v2sf) =	vpush v4, $0xF  }
.Ltmp1:
0x2a: {  	(pc) =	sbr.rel @!p0 .LBB2_3-.Ltmp1, $2  }
0x2b: {  	_ =	sdelay $0x2  }
0x2c: {  	s16 =	sadd.s32 $0x10, s16;
	[tilespmem:v5+s8+$0x0] =	vst.idx.msk vm0, v3;
	v3 =	vor.u32 s15, v0;
	s15 =	sadd.s32 $0x10, s15  }
0x2d: {  	[tilespmem:s16+$0x0] =	vst v3;
	s15 =	sadd.s32 $0x10, s17  }
0x2e: {  	v4 =	vld [tilespmem:s15+$0x0];
	_ =	sdelay $0x4  }
0x2f: {  	vm0 =	vgt.s32 v4, $0xFFFFFFFF  }
0x30: {  	v4 =	vsel vm0, $0x1, v1  }
0x31: {  	(xrf0) =	vadd.scan.msk.s32 $0xffff, v4;
	_ =	sdelay $0x5  }
0x32: {  	v4, _, _ =	vpop (xrf0)  }
0x33: {  	(v2sf) =	vpush v4, $0xF;
	_ =	sdelay $0xd  }
0x34: {  	s30 =	spop (v2sf)  }
0x35: {  	s14 =	sadd.s32 s14, s30;
	s31 =	spop (v2sf)  }
0x36: {  	s15 =	sadd.s32 $0xFFFFFFFF, s14;
	s14 =	sadd.s32 s14, s31  }
0x37: {  	v4 =	vadd.s32 s15, v4;
	p0 =	sgt.s32 s14, $0x0  }
.Ltmp2:
0x38: {  	_ = 	snop;
	(pc) =	sbr.rel @!p0 .LBB2_5-.Ltmp2, $2  }
0x39: {  	_ =	sdelay $0x2  }
0x3a: {  	s15 =	simm.s32 $0x0;
	[tilespmem:v4+s8+$0x0] =	vst.idx.msk vm0, v3  }
.LBB2_11:
0x3b: {  	v3 =	vmov s15;
	_ =	sdelay $0x4  }
0x3c: {  	v5 =	vld.idx.msk [tilespmem:v3+s8+$0x0], $0xffff;
	_ =	sdelay $0x7  }
0x3d: {  	v3 =	vld.idx.msk [tilespmem:v5+s9+$0x0], $0xffff  }
0x3e: {  	s16 =	simm.s32 $0x0;
	s17 =	simm.s32 $0x40;
	v4 =	vld.idx.msk [tilespmem:v5+s10+$0x0], $0xffff;
	v5 =	vshll.u32 v5, $0x7  }
.LBB2_12:
0x3f: {  	p0 =	sne.s32 s17, $0x7C0;
	v6 =	vld [tilespmem:s16+$0x10280];
	_ =	sdelay $0x4  }
0x40: {  	v7 =	vshra.s32 v6, $0x4  }
0x41: {  	v8 =	vand.u32 $0xFFFFFF80, v7  }
0x42: {  	v7 =	vand.u32 $0x7F, v7;
	v8 =	vadd.s32 v5, v8  }
0x43: {  	v7 =	vor.u32 v7, v8;
	_ =	sdelay $0x4  }
0x44: {  	v7 =	vld.idx.msk [tilespmem:v7+s6+$0x0], $0xffff;
	_ =	sdelay $0x4  }
0x45: {  	v8 =	vand.u32 $0xF, v6  }
0x46: {  	v7 =	vshrl.u32 v7, v8  }
.Ltmp3:
0x47: {  	v7 =	vand.u32 $0x1, v7;
	(pc) =	sbr.rel @p0 .LBB2_12-.Ltmp3, $4  }
0x48: {  	vm1 =	veq.s32 v6, v4;
	vm0 =	veq.s32 v7, $0x1  }
0x49: {  	vm0 =	vmor vm1, vm0  }
0x4a: {  	v6 =	vsel vm0, v3, v6  }
0x4b: {  	[tilespmem:s16+$0x10280] =	vst v6;
	s16 =	sshra.s32 s17, $0x2;
	s17 =	sadd.s32 $0x40, s17  }
0x4c: {  	v6 =	vld [tilespmem:s16+$0x10280];
	_ =	sdelay $0x4  }
0x4d: {  	v7 =	vshra.s32 v6, $0x4  }
0x4e: {  	v8 =	vand.u32 $0xFFFFFF80, v7  }
0x4f: {  	v7 =	vand.u32 $0x7F, v7;
	v5 =	vadd.s32 v5, v8  }
0x50: {  	v5 =	vor.u32 v7, v5;
	_ =	sdelay $0x4  }
0x51: {  	v5 =	vld.idx.msk [tilespmem:v5+s6+$0x0], $0xffff;
	_ =	sdelay $0x3  }
0x52: {  	s15 =	sadd.s32 $0x1, s15;
	v63 =	vand.u32 $0xF, v6  }
0x53: {  	p0 =	seq.s32 s15, s14;
	v5 =	vshrl.u32 v5, v63  }
.Ltmp4:
0x54: {  	v5 =	vand.u32 $0x1, v5;
	(pc) =	sbr.rel @!p0 .LBB2_11-.Ltmp4, $4  }
0x55: {  	vm1 =	veq.s32 v6, v4;
	vm0 =	veq.s32 v5, $0x1  }
0x56: {  	vm0 =	vmor vm1, vm0  }
0x57: {  	v3 =	vsel vm0, v3, v6  }
0x58: {  	[tilespmem:s16+$0x10280] =	vst v3  }
.LBB2_5:
0x59: {  	[tilespmem:$0x10780] =	vst v1  }
0x5a: {  	[tilespmem:$0x10790] =	vst v1  }
0x5b: {  	[tilespmem:$0x107A0] =	vst v1  }
0x5c: {  	[tilespmem:$0x107B0] =	vst v1  }
0x5d: {  	[tilespmem:$0x107C0] =	vst v1  }
0x5e: {  	[tilespmem:$0x107D0] =	vst v1  }
0x5f: {  	[tilespmem:$0x107E0] =	vst v1  }
0x60: {  	[tilespmem:$0x107F0] =	vst v1  }
0x61: {  	[tilespmem:$0x10800] =	vst v1  }
0x62: {  	[tilespmem:$0x10810] =	vst v1  }
0x63: {  	[tilespmem:$0x10820] =	vst v1  }
0x64: {  	[tilespmem:$0x10830] =	vst v1  }
0x65: {  	[tilespmem:$0x10840] =	vst v1  }
0x66: {  	[tilespmem:$0x10850] =	vst v1  }
0x67: {  	[tilespmem:$0x10860] =	vst v1  }
0x68: {  	[tilespmem:$0x10870] =	vst v1  }
0x69: {  	[tilespmem:$0x10880] =	vst v1  }
0x6a: {  	[tilespmem:$0x10890] =	vst v1  }
0x6b: {  	[tilespmem:$0x108A0] =	vst v1  }
0x6c: {  	[tilespmem:$0x108B0] =	vst v1  }
0x6d: {  	[tilespmem:$0x108C0] =	vst v1  }
0x6e: {  	[tilespmem:$0x108D0] =	vst v1  }
0x6f: {  	[tilespmem:$0x108E0] =	vst v1  }
0x70: {  	[tilespmem:$0x108F0] =	vst v1  }
0x71: {  	[tilespmem:$0x10900] =	vst v1;
	v3 =	vld [tilespmem:$0x10280]  }
0x72: {  	[tilespmem:$0x10910] =	vst v1  }
0x73: {  	[tilespmem:$0x10920] =	vst v1  }
0x74: {  	[tilespmem:$0x10930] =	vst v1  }
0x75: {  	[tilespmem:$0x10940] =	vst v1  }
0x76: {  	[tilespmem:$0x10950] =	vst v1  }
0x77: {  	[tilespmem:$0x10960] =	vst v1  }
0x78: {  	[tilespmem:$0x10970] =	vst v1  }
0x79: {  	[tilespmem:v3+s11+$0x0] =	vst.idx.msk $0xffff, v2  }
0x7a: {  	v3 =	vld [tilespmem:$0x10290];
	_ =	sdelay $0x7  }
0x7b: {  	[tilespmem:v3+s11+$0x0] =	vst.idx.msk $0xffff, v2  }
0x7c: {  	v3 =	vld [tilespmem:$0x102A0];
	_ =	sdelay $0x7  }
0x7d: {  	[tilespmem:v3+s11+$0x0] =	vst.idx.msk $0xffff, v2  }
0x7e: {  	v3 =	vld [tilespmem:$0x102B0];
	_ =	sdelay $0x7  }
0x7f: {  	[tilespmem:v3+s11+$0x0] =	vst.idx.msk $0xffff, v2  }
0x80: {  	v3 =	vld [tilespmem:$0x102C0];
	_ =	sdelay $0x7  }
0x81: {  	[tilespmem:v3+s11+$0x0] =	vst.idx.msk $0xffff, v2  }
0x82: {  	v3 =	vld [tilespmem:$0x102D0];
	_ =	sdelay $0x7  }
0x83: {  	[tilespmem:v3+s11+$0x0] =	vst.idx.msk $0xffff, v2  }
0x84: {  	v3 =	vld [tilespmem:$0x102E0];
	_ =	sdelay $0x7  }
0x85: {  	[tilespmem:v3+s11+$0x0] =	vst.idx.msk $0xffff, v2  }
0x86: {  	v3 =	vld [tilespmem:$0x102F0];
	_ =	sdelay $0x7  }
0x87: {  	[tilespmem:v3+s11+$0x0] =	vst.idx.msk $0xffff, v2  }
0x88: {  	v3 =	vld [tilespmem:$0x10300];
	_ =	sdelay $0x7  }
0x89: {  	[tilespmem:v3+s11+$0x0] =	vst.idx.msk $0xffff, v2  }
0x8a: {  	v3 =	vld [tilespmem:$0x10310];
	_ =	sdelay $0x7  }
0x8b: {  	[tilespmem:v3+s11+$0x0] =	vst.idx.msk $0xffff, v2  }
0x8c: {  	v3 =	vld [tilespmem:$0x10320];
	_ =	sdelay $0x7  }
0x8d: {  	[tilespmem:v3+s11+$0x0] =	vst.idx.msk $0xffff, v2  }
0x8e: {  	v3 =	vld [tilespmem:$0x10330];
	_ =	sdelay $0x7  }
0x8f: {  	[tilespmem:v3+s11+$0x0] =	vst.idx.msk $0xffff, v2  }
0x90: {  	v3 =	vld [tilespmem:$0x10340];
	_ =	sdelay $0x7  }
0x91: {  	[tilespmem:v3+s11+$0x0] =	vst.idx.msk $0xffff, v2  }
0x92: {  	v3 =	vld [tilespmem:$0x10350];
	_ =	sdelay $0x7  }
0x93: {  	[tilespmem:v3+s11+$0x0] =	vst.idx.msk $0xffff, v2  }
0x94: {  	v3 =	vld [tilespmem:$0x10360];
	_ =	sdelay $0x7  }
0x95: {  	[tilespmem:v3+s11+$0x0] =	vst.idx.msk $0xffff, v2  }
0x96: {  	v3 =	vld [tilespmem:$0x10370];
	_ =	sdelay $0x7  }
0x97: {  	[tilespmem:v3+s11+$0x0] =	vst.idx.msk $0xffff, v2  }
0x98: {  	v3 =	vld [tilespmem:$0x10380];
	_ =	sdelay $0x7  }
0x99: {  	[tilespmem:v3+s11+$0x0] =	vst.idx.msk $0xffff, v2  }
0x9a: {  	v3 =	vld [tilespmem:$0x10390];
	_ =	sdelay $0x7  }
0x9b: {  	[tilespmem:v3+s11+$0x0] =	vst.idx.msk $0xffff, v2  }
0x9c: {  	v3 =	vld [tilespmem:$0x103A0];
	_ =	sdelay $0x7  }
0x9d: {  	[tilespmem:v3+s11+$0x0] =	vst.idx.msk $0xffff, v2  }
0x9e: {  	v3 =	vld [tilespmem:$0x103B0];
	_ =	sdelay $0x7  }
0x9f: {  	[tilespmem:v3+s11+$0x0] =	vst.idx.msk $0xffff, v2  }
0xa0: {  	v3 =	vld [tilespmem:$0x103C0];
	_ =	sdelay $0x7  }
0xa1: {  	[tilespmem:v3+s11+$0x0] =	vst.idx.msk $0xffff, v2  }
0xa2: {  	v3 =	vld [tilespmem:$0x103D0];
	_ =	sdelay $0x7  }
0xa3: {  	[tilespmem:v3+s11+$0x0] =	vst.idx.msk $0xffff, v2  }
0xa4: {  	v3 =	vld [tilespmem:$0x103E0];
	_ =	sdelay $0x7  }
0xa5: {  	[tilespmem:v3+s11+$0x0] =	vst.idx.msk $0xffff, v2  }
0xa6: {  	v3 =	vld [tilespmem:$0x103F0];
	_ =	sdelay $0x7  }
0xa7: {  	[tilespmem:v3+s11+$0x0] =	vst.idx.msk $0xffff, v2  }
0xa8: {  	v3 =	vld [tilespmem:$0x10400];
	_ =	sdelay $0x7  }
0xa9: {  	[tilespmem:v3+s11+$0x0] =	vst.idx.msk $0xffff, v2  }
0xaa: {  	v3 =	vld [tilespmem:$0x10410];
	_ =	sdelay $0x7  }
0xab: {  	[tilespmem:v3+s11+$0x0] =	vst.idx.msk $0xffff, v2  }
0xac: {  	v3 =	vld [tilespmem:$0x10420];
	_ =	sdelay $0x7  }
0xad: {  	[tilespmem:v3+s11+$0x0] =	vst.idx.msk $0xffff, v2  }
0xae: {  	v3 =	vld [tilespmem:$0x10430];
	_ =	sdelay $0x7  }
0xaf: {  	[tilespmem:v3+s11+$0x0] =	vst.idx.msk $0xffff, v2  }
0xb0: {  	v3 =	vld [tilespmem:$0x10440];
	_ =	sdelay $0x7  }
0xb1: {  	[tilespmem:v3+s11+$0x0] =	vst.idx.msk $0xffff, v2  }
0xb2: {  	v3 =	vld [tilespmem:$0x10450];
	_ =	sdelay $0x7  }
0xb3: {  	[tilespmem:v3+s11+$0x0] =	vst.idx.msk $0xffff, v2  }
0xb4: {  	v3 =	vld [tilespmem:$0x10460];
	_ =	sdelay $0x7  }
0xb5: {  	[tilespmem:v3+s11+$0x0] =	vst.idx.msk $0xffff, v2  }
0xb6: {  	v3 =	vld [tilespmem:$0x10470];
	_ =	sdelay $0x7  }
0xb7: {  	s14 =	simm.s32 $0x0;
	[tilespmem:v3+s11+$0x0] =	vst.idx.msk $0xffff, v2  }
0xb8: {  	v3 =	vld [tilespmem:s14+$0x10780];
	_ =	sdelay $0x4  }
0xb9: {  	(xrf0) =	vadd.scan.msk.s32 $0xffff, v3;
	_ =	sdelay $0x5  }
0xba: {  	v3, _, _ =	vpop (xrf0)  }
0xbb: {  	(v2sf) =	vpush v3, $0xF  }
0xbc: {  	s16 =	simm.s32 $0xFFFFFFFF  }
0xbd: {  	v4 =	vadd.s32 s16, v3  }
0xbe: {  	s15 =	simm.s32 $0x0;
	s17 =	simm.s32 $0x80;
	s16 =	simm.s32 $0x10;
	[tilespmem:s14+$0x10780] =	vst v4  }
.LBB2_6:
0xbf: {  	p0 =	sne.s32 s17, $0x7C0;
	v3 =	vld [tilespmem:s16+$0x10780];
	_ =	sdelay $0x4  }
0xc0: {  	(xrf0) =	vadd.scan.msk.s32 $0xffff, v3;
	_ =	sdelay $0x5  }
.Ltmp5:
0xc1: {  	v3, _, _ =	vpop (xrf0);
	s18 =	spop (v2sf);
	(pc) =	sbr.rel @p0 .LBB2_6-.Ltmp5, $4  }
0xc2: {  	(v2sf) =	vpush v3, $0xF;
	s15 =	sadd.s32 s15, s18  }
0xc3: {  	s18 =	sadd.s32 $0xFFFFFFFF, s15  }
0xc4: {  	v3 =	vadd.s32 s18, v3  }
0xc5: {  	[tilespmem:s16+$0x10780] =	vst v3;
	s16 =	sshra.s32 s17, $0x2;
	s17 =	sadd.s32 $0x40, s17  }
0xc6: {  	v3 =	vld [tilespmem:s16+$0x10780];
	_ =	sdelay $0x4  }
0xc7: {  	(xrf0) =	vadd.scan.msk.s32 $0xffff, v3;
	_ =	sdelay $0x5  }
0xc8: {  	v3, _, _ =	vpop (xrf0)  }
0xc9: {  	(v2sf) =	vpush v3, $0xF;
	_ =	sdelay $0x1  }
0xca: {  	s17 =	spop (v2sf)  }
0xcb: {  	s15 =	sadd.s32 s15, s17  }
0xcc: {  	s15 =	sadd.s32 $0xFFFFFFFF, s15  }
0xcd: {  	v3 =	vadd.s32 s15, v3  }
0xce: {  	[tilespmem:s16+$0x10780] =	vst v3  }
0xcf: {  	v3 =	vld [tilespmem:s14+$0x10280];
	_ =	sdelay $0x7  }
0xd0: {  	s15 =	simm.s32 $0x10;
	s16 =	simm.s32 $0x80;
	v3 =	vld.idx.msk [tilespmem:v3+s11+$0x0], $0xffff;
	s31 =	spop (v2sf)  }
.LBB2_8:
0xd1: {  	p0 =	sne.s32 s16, $0x7C0;
	v4 =	vld [tilespmem:s15+$0x10280];
	_ =	sdelay $0x3  }
.Ltmp6:
0xd2: {  	(pc) =	sbr.rel @p0 .LBB2_8-.Ltmp6, $2  }
0xd3: {  	[tilespmem:s14+$0x10980] =	vst v3;
	s14 =	smov.u32 s15;
	_ =	sdelay $0x2  }
0xd4: {  	s15 =	sshra.s32 s16, $0x2;
	s16 =	sadd.s32 $0x40, s16;
	v3 =	vld.idx.msk [tilespmem:v4+s11+$0x0], $0xffff  }
0xd5: {  	v4 =	vld [tilespmem:s15+$0x10280];
	_ =	sdelay $0x6  }
0xd6: {  	[tilespmem:s14+$0x10980] =	vst v3  }
0xd7: {  	v3 =	vld.idx.msk [tilespmem:v4+s11+$0x0], $0xffff;
	_ =	sdelay $0x2  }
0xd8: {  	s13 =	sadd.s32 $0x1, s13  }
0xd9: {  	p0 =	sne.s32 s13, s5  }
.Ltmp7:
0xda: {  	[tilespmem:s15+$0x10980] =	vst v3;
	(pc) =	sbr.rel @p0 .LBB2_2-.Ltmp7, $4  }
0xdb: {  	[hbm4b:s2+s6] =	stream.linear.scatter [tilespmem:s12], [sflag:$0x1], $0x200, $0x38;
	[tilespmem:$0x10B80] =	vst v63  }
0xdc: {  	_ =	swait.ge [sflag:s7], $0x200  }
0xdd: {  	[sflag:s7] =	ssyncset.done $0x0  }
0xde: {  	[sflag:s7] =	ssyncadd.s32 $0xFFFFFE00  }
.LBB2_10:
0xdf: {  	_ =	sfence.sel $0x180000  }
0xe0: {  	[bflag:$0x0] =	sbarrier.arrive $0xFFFF  }
0xe1: {  	p0 =	sne.s32 s0, $0x0;
	_ =	strace $0x90000047  }
0xe2: {  	s0 =	sadd.s32 @!p0 $0x100000, s1;
	[bflag:$0x2] =	sbarrier.arrive $0xFFFF  }
0xe3: {  	[sflag:s0] =	ssyncadd.tile.s32 @!p0 $0x1;
	_ =	shalt  }
.Lfunc_end2:
_tile_overlayer_lowered:
.L_overlay_start_2:
0xe4: {  	(tag) =	ssettag $0x2  }
0xe5: {  	s0 =	rddreg [dreg:$0x0];
	s2 =	stileid.u32  }
0xe6: {  	s1 =	rddreg [dreg:$0x1];
	p0 =	sne.s32 s2, $0x0  }
0xe7: {  	s3 =	rddreg [dreg:$0x2];
	[bflag:$0x3] =	sbarrier.arrive $0xFFFF;
	s2 =	simm.s32 @!p0 $0x1C01  }
0xe8: {  	[timem:s3], [sflag:s2] =	dma.local @!p0 [hbm:s0], s1  }
0xe9: {  	s0 =	simm.s32 @!p0 $0x1  }
0xea: {  	_ =	swait.ge @!p0 [sflag:s0], s1  }
0xeb: {  	s1 =	ssub.s32 @!p0 $0x0, s1;
	[sflag:s0] =	ssyncset.done @!p0 $0x0  }
0xec: {  	[sflag:s0] =	ssyncadd.s32 @!p0 s1  }
0xed: {  	[bflag:$0x3] =	sbarrier.arrive $0xFFFF  }
0xee: {  	_ =	shalt  }

</sc_bundles>
